<compile_context>
chip_gen: v7x
topology: tpu7x:2x2x1
jax: 0.10.2.dev20260603
libtpu: 0.0.44.dev20260713+nightly
codegen_flags: <defaults>
</compile_context>

<pallas_src>
import functools

import jax
import jax.numpy as jnp
import numpy as np
from jax import lax
from jax.experimental import pallas as pl
from jax.experimental.pallas import tpu as pltpu
from jax.experimental.pallas import tpu_sc as plsc

EMB = 64
SEQ = 200
NCOL = 4 * EMB
VOCAB_HALF = 500000

_ii, _dd, _ee = np.meshgrid(
    np.arange(EMB), np.arange(4), np.arange(EMB), indexing="ij"
)
_tt = (25 * _ii) // 8 + _dd
_jj = 64 * _dd - 8 * (_ii % 8) + _ee
_valid = (_jj >= 0) & (_jj < SEQ)
assert int(_valid.sum()) == EMB * SEQ
_IV = _ii[_valid]
_DV = _dd[_valid]
_EV = _ee[_valid]
_TV = _tt[_valid]
_JV = _jj[_valid]
_COLV = 4 * _IV + _DV

_EMAT = np.zeros((SEQ, NCOL), np.float32)
_EMAT[_tt[:, :, 0].ravel(), (4 * _ii + _dd)[:, :, 0].ravel()] = 1.0
_QMAT = np.zeros((EMB, SEQ * SEQ), np.float32)
_QMAT[_EV, _TV * SEQ + _JV] = 1.0
_UMAT = np.zeros((EMB, SEQ * NCOL), np.float32)
_UMAT[_EV, _JV * NCOL + _COLV] = 1.0
_VMAT = np.zeros((NCOL, EMB), np.float32)
_VMAT[np.arange(NCOL), np.arange(NCOL) // 4] = 1.0

_EPS = 1e-12

_NC = 2
_NS = 16
_NW = _NC * _NS
_CHUNK = 128


def _sc_gather_body(table_hbm, idx_hbm, out_hbm, idx_v, rows0, rows1,
                    gsem0, gsem1, ssem0, ssem1, *, n_chunks, per_w):
    wid = lax.axis_index("s") * _NC + lax.axis_index("c")
    base = wid * per_w
    pltpu.sync_copy(idx_hbm.at[wid], idx_v)

    rows = (rows0, rows1)
    gsems = (gsem0, gsem1)
    ssems = (ssem0, ssem1)

    pltpu.async_copy(table_hbm.at[idx_v.at[0]], rows0, gsem0)

    def step(k0, _):
        for b in range(2):
            k = 2 * k0 + b
            o = 1 - b
            pltpu.make_async_copy(
                table_hbm.at[idx_v.at[k]], rows[b], gsems[b]).wait()
            pltpu.async_copy(
                rows[b], out_hbm.at[pl.ds(base + k * _CHUNK, _CHUNK)],
                ssems[b])

            @pl.when(k >= 1)
            def _wait_prev_scatter():
                pltpu.make_async_copy(
                    rows[o], out_hbm.at[pl.ds(base, _CHUNK)], ssems[o]).wait()

            @pl.when(k + 1 < n_chunks)
            def _fire_next_gather():
                pltpu.async_copy(
                    table_hbm.at[idx_v.at[k + 1]], rows[o], gsems[o])
        return 0

    lax.fori_loop(0, n_chunks // 2, step, 0)
    pltpu.make_async_copy(
        rows[1], out_hbm.at[pl.ds(base, _CHUNK)], ssems[1]).wait()


def _sc_gather(table, idx_flat):
    n = idx_flat.shape[0]
    per_w = n // _NW
    n_chunks = per_w // _CHUNK
    assert per_w * _NW == n and n_chunks * _CHUNK == per_w
    assert n_chunks % 2 == 0
    idx3 = idx_flat.reshape(_NW, n_chunks, _CHUNK)
    mesh = plsc.VectorSubcoreMesh(core_axis_name="c", subcore_axis_name="s")
    body = functools.partial(_sc_gather_body, n_chunks=n_chunks, per_w=per_w)
    run = pl.kernel(
        body,
        out_type=jax.ShapeDtypeStruct((n, EMB), jnp.float32),
        mesh=mesh,
        compiler_params=pltpu.CompilerParams(use_tc_tiling_on_sc=False),
        scratch_types=[
            pltpu.VMEM((n_chunks, _CHUNK), jnp.int32),
            pltpu.VMEM((_CHUNK, EMB), jnp.float32),
            pltpu.VMEM((_CHUNK, EMB), jnp.float32),
            pltpu.SemaphoreType.DMA,
            pltpu.SemaphoreType.DMA,
            pltpu.SemaphoreType.DMA,
            pltpu.SemaphoreType.DMA,
        ],
    )
    return run(table, idx3)


def _tc_body(ms_ref, seg_ref, w_ref, q_ref, u_ref, e_ref, v_ref, o_ref):
    hi = jax.lax.Precision.HIGHEST
    ms = ms_ref[...]
    w = w_ref[...]
    msw = ms * w[0][None, None, :]
    n2s = jnp.sum(msw * msw, axis=1)
    inv_s = 1.0 / jnp.maximum(jnp.sqrt(n2s), _EPS)
    out_s = jnp.sum(msw * inv_s[:, None, :], axis=2)

    seg = seg_ref[...]
    ohs = []
    n2g = jnp.zeros(n2s.shape, jnp.float32)
    for k in range(3):
        oh = (seg == k).astype(jnp.float32)
        ohs.append(oh)
        n2g = n2g + jnp.dot(oh, q_ref[k], precision=hi,
                            preferred_element_type=jnp.float32)
    inv_g = 1.0 / jnp.maximum(jnp.sqrt(n2g), _EPS)
    z = jnp.zeros((seg.shape[0], NCOL), jnp.float32)
    for k in range(3):
        s_k = jnp.dot(inv_g, u_ref[k], precision=hi,
                      preferred_element_type=jnp.float32)
        oh3 = jnp.dot(ohs[k], e_ref[...], precision=hi,
                      preferred_element_type=jnp.float32)
        z = z + oh3 * s_k
    out_g = jnp.dot(z, v_ref[...], precision=hi,
                    preferred_element_type=jnp.float32)
    o_ref[...] = out_s + out_g


def _tc_combine(ms, seg, w2, q, u, e, v, block_b):
    batch = seg.shape[0]
    n_blocks = batch // block_b
    grid = (n_blocks,)
    return pl.pallas_call(
        _tc_body,
        grid=grid,
        in_specs=[
            pl.BlockSpec((block_b, EMB, SEQ), lambda i: (i, 0, 0)),
            pl.BlockSpec((block_b, SEQ), lambda i: (i, 0)),
            pl.BlockSpec((1, SEQ), lambda i: (0, 0)),
            pl.BlockSpec((3, SEQ, SEQ), lambda i: (0, 0, 0)),
            pl.BlockSpec((3, SEQ, NCOL), lambda i: (0, 0, 0)),
            pl.BlockSpec((SEQ, NCOL), lambda i: (0, 0)),
            pl.BlockSpec((NCOL, EMB), lambda i: (0, 0)),
        ],
        out_specs=pl.BlockSpec((block_b, EMB), lambda i: (i, 0)),
        out_shape=jax.ShapeDtypeStruct((batch, EMB), jnp.float32),
    )(ms, seg, w2, q, u, e, v)


def kernel(src, seg, edge_index, src_table, seg_table, w):
    batch, seq = src.shape
    assert seq == SEQ and src_table.shape[1] == EMB

    t2 = src_table.reshape(VOCAB_HALF, 2 * EMB)
    t2 = jax.lax.optimization_barrier(t2)
    tlin = t2.reshape(src_table.shape)

    hi = jax.lax.Precision.HIGHEST
    tsq = seg_table * seg_table
    q = jnp.dot(tsq, jnp.asarray(_QMAT), precision=hi).reshape(3, SEQ, SEQ)
    u = jnp.dot(seg_table, jnp.asarray(_UMAT), precision=hi).reshape(
        3, SEQ, NCOL)
    emat = jnp.asarray(_EMAT)
    vmat = jnp.asarray(_VMAT)
    w2 = w.reshape(1, SEQ)

    n_slices = 4
    sb = batch // n_slices
    outs = []
    for s in range(n_slices):
        gbuf = _sc_gather(tlin, src[s * sb:(s + 1) * sb].reshape(-1))
        ms = gbuf.reshape(sb, EMB, SEQ)
        outs.append(_tc_combine(ms, seg[s * sb:(s + 1) * sb], w2,
                                q, u, emat, vmat, block_b=128))
    return jnp.concatenate(outs, axis=0)

# --- scband reference (transcript-rebuilt; emitter-appended) ---
"""Pipeline reference for scband-tegl-74577812128305 (READ-ONLY COPY).

The authoritative reference and input builder live on the scoring server;
editing this copy changes nothing except your own understanding.
"""

import jax, jax.numpy as jnp
import numpy as np

VOCAB = 1000000
EMB = 64
SEQ = 200
BATCH = 4096
N_EDGES = 65536


def setup_inputs(seed: int = 0) -> dict:
    key = jax.random.key(seed)
    k1, k2, k3, k4, k5 = jax.random.split(key, 5)
    src = jax.random.randint(k1, (BATCH, SEQ), 0, VOCAB, dtype=jnp.int32)
    seg = jax.random.randint(k2, (BATCH, SEQ), 0, 3, dtype=jnp.int32)
    edge_index = jax.random.randint(k5, (2, N_EDGES), 0, BATCH, dtype=jnp.int32)
    src_table = jax.random.normal(k3, (VOCAB, EMB), dtype=jnp.float32) * 0.02
    seg_table = jax.random.normal(k4, (3, EMB), dtype=jnp.float32) * 0.02
    w = jnp.ones((SEQ,), dtype=jnp.float32)
    return {"src": src, "seg": seg, "edge_index": edge_index,
            "src_table": src_table, "seg_table": seg_table, "w": w}


def _normalize_dim1(x, eps=1e-12):
    # F.normalize(x, p=2, dim=1): x / clamp_min(||x||_2, eps) along dim 1
    n = jnp.sqrt(jnp.sum(x * x, axis=1, keepdims=True))
    return x / jnp.maximum(n, eps)


def reference(src, seg, edge_index, src_table, seg_table, w):
    # embedding lookups (gather)
    s = jnp.take(src_table, src, axis=0)        # [B, SEQ, EMB]
    g = jnp.take(seg_table, seg, axis=0)        # [B, SEQ, EMB]
    # view(-1, emb_size, seq_length) -- pure reshape, as in the torch code
    sr = s.reshape(-1, EMB, SEQ)
    gr = g.reshape(-1, EMB, SEQ)
    f = (_normalize_dim1(w * sr) + _normalize_dim1(gr)).sum(-1)  # [B, EMB]
    return f

if __name__ == "__main__":
    import jax
    _d = setup_inputs()
    print(jax.jit(kernel)(*tuple(_d.values())))

</pallas_src>

<mosaic_0001>
#map = affine_map<(d0, d1) -> (0, 0)>
#map1 = affine_map<(d0, d1) -> (0, 0, 0)>
module attributes {stable_mosaic.version = 14 : i64} {
  func.func @_sc_gather_body(%arg0: i32, %arg1: i32, %arg2: memref<1000000x64xf32, #tpu.memory_space<hbm>>, %arg3: memref<32x50x128xi32, #tpu.memory_space<hbm>>, %arg4: memref<204800x64xf32, #tpu.memory_space<hbm>>, %arg5: memref<50x128xi32, #tpu.memory_space<vmem>>, %arg6: memref<128x64xf32, #tpu.memory_space<vmem>>, %arg7: memref<128x64xf32, #tpu.memory_space<vmem>>, %arg8: memref<!tpu.dma_semaphore, #tpu.memory_space<semaphore_mem>>, %arg9: memref<!tpu.dma_semaphore, #tpu.memory_space<semaphore_mem>>, %arg10: memref<!tpu.dma_semaphore, #tpu.memory_space<semaphore_mem>>, %arg11: memref<!tpu.dma_semaphore, #tpu.memory_space<semaphore_mem>>) attributes {dimension_semantics = [#tpu.dimension_semantics<core_parallel>, #tpu.dimension_semantics<subcore_parallel>], iteration_bounds = array<i64: 2, 16>, scalar_prefetch = 0 : i64, scratch_operands = 7 : i64, tpu.core_type = #tpu.core_type<sc_vector_subcore>, window_params = [{transform_indices = #map}, {transform_indices = #map1}, {transform_indices = #map}]} {
    %mul3A = arith.constant 2 : i32
    %mul3A_0 = arith.muli %arg1, %mul3A : i32
    %add3A = arith.addi %mul3A_0, %arg0 : i32
    %mul3A_1 = arith.constant 6400 : i32
    %mul3A_2 = arith.muli %add3A, %mul3A_1 : i32
    "tpu.region"() ({
      %run_scoped3A = tpu.sem_alloc : memref<!tpu.dma_semaphore, #tpu.memory_space<semaphore_mem>>
      %dma_start3A_18 = arith.constant 0 : i32
      %dma_start3A_19 = arith.constant 0 : i32
      %dma_start3A_20 = tpu.memref_slice %arg3[%add3A, %dma_start3A_18, %dma_start3A_19] : memref<32x50x128xi32, #tpu.memory_space<hbm>> -> memref<1x50x128xi32, #tpu.memory_space<hbm>>
      %dma_start3A_21 = tpu.memref_squeeze %dma_start3A_20 : memref<1x50x128xi32, #tpu.memory_space<hbm>> -> memref<50x128xi32, #tpu.memory_space<hbm>>
      %dma_start3A_22 = arith.constant 0 : i32
      %dma_start3A_23 = arith.constant 0 : i32
      %dma_start3A_24 = tpu.memref_slice %arg3[%add3A, %dma_start3A_22, %dma_start3A_23] : memref<32x50x128xi32, #tpu.memory_space<hbm>> -> memref<1x50x128xi32, #tpu.memory_space<hbm>>
      %dma_start3A_25 = tpu.memref_squeeze %dma_start3A_24 : memref<1x50x128xi32, #tpu.memory_space<hbm>> -> memref<50x128xi32, #tpu.memory_space<hbm>>
      tpu.enqueue_dma source(%dma_start3A_25 : memref<50x128xi32, #tpu.memory_space<hbm>>) target(%arg5 : memref<50x128xi32, #tpu.memory_space<vmem>>) target_semaphore(%run_scoped3A : memref<!tpu.dma_semaphore, #tpu.memory_space<semaphore_mem>>)
      %dma_wait3A_26 = arith.constant 0 : i32
      %dma_wait3A_27 = arith.constant 0 : i32
      %dma_wait3A_28 = tpu.memref_slice %arg3[%add3A, %dma_wait3A_26, %dma_wait3A_27] : memref<32x50x128xi32, #tpu.memory_space<hbm>> -> memref<1x50x128xi32, #tpu.memory_space<hbm>>
      %dma_wait3A_29 = tpu.memref_squeeze %dma_wait3A_28 : memref<1x50x128xi32, #tpu.memory_space<hbm>> -> memref<50x128xi32, #tpu.memory_space<hbm>>
      %dma_wait3A_30 = arith.constant 0 : i32
      %dma_wait3A_31 = arith.constant 0 : i32
      %dma_wait3A_32 = tpu.memref_slice %arg3[%add3A, %dma_wait3A_30, %dma_wait3A_31] : memref<32x50x128xi32, #tpu.memory_space<hbm>> -> memref<1x50x128xi32, #tpu.memory_space<hbm>>
      %dma_wait3A_33 = tpu.memref_squeeze %dma_wait3A_32 : memref<1x50x128xi32, #tpu.memory_space<hbm>> -> memref<50x128xi32, #tpu.memory_space<hbm>>
      tpu.wait_dma2 semaphore(%run_scoped3A : memref<!tpu.dma_semaphore, #tpu.memory_space<semaphore_mem>>) src(%dma_wait3A_33 : memref<50x128xi32, #tpu.memory_space<hbm>>) dst(%arg5 : memref<50x128xi32, #tpu.memory_space<vmem>>)
      tpu.yield
    }) : () -> ()
    %dma_start3A = arith.constant 0 : i32
    %dma_start3A_3 = arith.constant 0 : i32
    %dma_start3A_4 = tpu.memref_slice %arg5[%dma_start3A, %dma_start3A_3] : memref<50x128xi32, #tpu.memory_space<vmem>> -> memref<1x128xi32, #tpu.memory_space<vmem>>
    %dma_start3A_5 = tpu.memref_squeeze %dma_start3A_4 : memref<1x128xi32, #tpu.memory_space<vmem>> -> memref<128xi32, #tpu.memory_space<vmem>>
    %dma_start3A_6 = arith.constant 0 : i32
    %dma_start3A_7 = arith.constant 0 : i32
    %dma_start3A_8 = tpu.memref_slice %arg2[%dma_start3A_6, %dma_start3A_7] : memref<1000000x64xf32, #tpu.memory_space<hbm>> -> memref<1000000x64xf32, #tpu.memory_space<hbm>>
    tpu.enqueue_indirect_dma source(%dma_start3A_8 : memref<1000000x64xf32, #tpu.memory_space<hbm>>) target(%arg6 : memref<128x64xf32, #tpu.memory_space<vmem>>) offsets(%dma_start3A_5 : memref<128xi32, #tpu.memory_space<vmem>>) semaphore(%arg8 : memref<!tpu.dma_semaphore, #tpu.memory_space<semaphore_mem>>)
    %scan3A = arith.constant 0 : i32
    %scan3A_9 = arith.constant 0 : i32
    %scan3A_10 = arith.constant 25 : i32
    %scan3A_11 = arith.addi %scan3A_9, %scan3A_10 : i32
    %scan3A_12 = arith.constant 1 : i32
    %scan3A_13 = scf.for %scan3A_18 = %scan3A_9 to %scan3A_11 step %scan3A_12 iter_args(%scan3A_19 = %scan3A) -> (i32)  : i32 {
      %mul3A_20 = arith.constant 2 : i32
      %mul3A_21 = arith.muli %mul3A_20, %scan3A_18 : i32
      %add3A_22 = arith.constant 0 : i32
      %add3A_23 = arith.addi %mul3A_21, %add3A_22 : i32
      %dma_wait3A_24 = arith.constant 0 : i32
      %dma_wait3A_25 = tpu.memref_slice %arg5[%add3A_23, %dma_wait3A_24] : memref<50x128xi32, #tpu.memory_space<vmem>> -> memref<1x128xi32, #tpu.memory_space<vmem>>
      %dma_wait3A_26 = tpu.memref_squeeze %dma_wait3A_25 : memref<1x128xi32, #tpu.memory_space<vmem>> -> memref<128xi32, #tpu.memory_space<vmem>>
      %dma_wait3A_27 = arith.constant 0 : i32
      %dma_wait3A_28 = arith.constant 0 : i32
      %dma_wait3A_29 = tpu.memref_slice %arg2[%dma_wait3A_27, %dma_wait3A_28] : memref<1000000x64xf32, #tpu.memory_space<hbm>> -> memref<1000000x64xf32, #tpu.memory_space<hbm>>
      tpu.wait_indirect_dma semaphore(%arg8 : memref<!tpu.dma_semaphore, #tpu.memory_space<semaphore_mem>>) src(%dma_wait3A_29 : memref<1000000x64xf32, #tpu.memory_space<hbm>>) dst(%arg6 : memref<128x64xf32, #tpu.memory_space<vmem>>)
      %mul3A_30 = arith.constant 128 : i32
      %mul3A_31 = arith.muli %add3A_23, %mul3A_30 : i32
      %add3A_32 = arith.addi %mul3A_2, %mul3A_31 : i32
      %dma_start3A_33 = arith.constant 0 : i32
      %dma_start3A_34 = tpu.memref_slice %arg4[%add3A_32, %dma_start3A_33] : memref<204800x64xf32, #tpu.memory_space<hbm>> -> memref<128x64xf32, #tpu.memory_space<hbm>>
      %dma_start3A_35 = arith.constant 0 : i32
      %dma_start3A_36 = tpu.memref_slice %arg4[%add3A_32, %dma_start3A_35] : memref<204800x64xf32, #tpu.memory_space<hbm>> -> memref<128x64xf32, #tpu.memory_space<hbm>>
      tpu.enqueue_dma source(%arg6 : memref<128x64xf32, #tpu.memory_space<vmem>>) target(%dma_start3A_36 : memref<128x64xf32, #tpu.memory_space<hbm>>) target_semaphore(%arg10 : memref<!tpu.dma_semaphore, #tpu.memory_space<semaphore_mem>>)
      %ge3A = arith.constant 1 : i32
      %ge3A_37 = arith.cmpi sge, %add3A_23, %ge3A : i32
      %convert_element_type3A = arith.extui %ge3A_37 : i1 to i32
      %cond3A = arith.constant 0 : i32
      %cond3A_38 = arith.cmpi ne, %convert_element_type3A, %cond3A : i32
      scf.if %cond3A_38 {
        %dma_wait3A_75 = arith.constant 0 : i32
        %dma_wait3A_76 = tpu.memref_slice %arg4[%mul3A_2, %dma_wait3A_75] : memref<204800x64xf32, #tpu.memory_space<hbm>> -> memref<128x64xf32, #tpu.memory_space<hbm>>
        %dma_wait3A_77 = arith.constant 0 : i32
        %dma_wait3A_78 = tpu.memref_slice %arg4[%mul3A_2, %dma_wait3A_77] : memref<204800x64xf32, #tpu.memory_space<hbm>> -> memref<128x64xf32, #tpu.memory_space<hbm>>
        tpu.wait_dma2 semaphore(%arg11 : memref<!tpu.dma_semaphore, #tpu.memory_space<semaphore_mem>>) src(%arg7 : memref<128x64xf32, #tpu.memory_space<vmem>>) dst(%dma_wait3A_78 : memref<128x64xf32, #tpu.memory_space<hbm>>)
      } else {
      }
      %add3A_39 = arith.constant 1 : i32
      %add3A_40 = arith.addi %add3A_23, %add3A_39 : i32
      %lt3A = arith.constant 50 : i32
      %lt3A_41 = arith.cmpi slt, %add3A_40, %lt3A : i32
      %convert_element_type3A_42 = arith.extui %lt3A_41 : i1 to i32
      %cond3A_43 = arith.constant 0 : i32
      %cond3A_44 = arith.cmpi ne, %convert_element_type3A_42, %cond3A_43 : i32
      scf.if %cond3A_44 {
        %add3A_75 = arith.constant 1 : i32
        %add3A_76 = arith.addi %add3A_23, %add3A_75 : i32
        %dma_start3A_77 = arith.constant 0 : i32
        %dma_start3A_78 = tpu.memref_slice %arg5[%add3A_76, %dma_start3A_77] : memref<50x128xi32, #tpu.memory_space<vmem>> -> memref<1x128xi32, #tpu.memory_space<vmem>>
        %dma_start3A_79 = tpu.memref_squeeze %dma_start3A_78 : memref<1x128xi32, #tpu.memory_space<vmem>> -> memref<128xi32, #tpu.memory_space<vmem>>
        %dma_start3A_80 = arith.constant 0 : i32
        %dma_start3A_81 = arith.constant 0 : i32
        %dma_start3A_82 = tpu.memref_slice %arg2[%dma_start3A_80, %dma_start3A_81] : memref<1000000x64xf32, #tpu.memory_space<hbm>> -> memref<1000000x64xf32, #tpu.memory_space<hbm>>
        tpu.enqueue_indirect_dma source(%dma_start3A_82 : memref<1000000x64xf32, #tpu.memory_space<hbm>>) target(%arg7 : memref<128x64xf32, #tpu.memory_space<vmem>>) offsets(%dma_start3A_79 : memref<128xi32, #tpu.memory_space<vmem>>) semaphore(%arg9 : memref<!tpu.dma_semaphore, #tpu.memory_space<semaphore_mem>>)
      } else {
      }
      %mul3A_45 = arith.constant 2 : i32
      %mul3A_46 = arith.muli %mul3A_45, %scan3A_18 : i32
      %add3A_47 = arith.constant 1 : i32
      %add3A_48 = arith.addi %mul3A_46, %add3A_47 : i32
      %dma_wait3A_49 = arith.constant 0 : i32
      %dma_wait3A_50 = tpu.memref_slice %arg5[%add3A_48, %dma_wait3A_49] : memref<50x128xi32, #tpu.memory_space<vmem>> -> memref<1x128xi32, #tpu.memory_space<vmem>>
      %dma_wait3A_51 = tpu.memref_squeeze %dma_wait3A_50 : memref<1x128xi32, #tpu.memory_space<vmem>> -> memref<128xi32, #tpu.memory_space<vmem>>
      %dma_wait3A_52 = arith.constant 0 : i32
      %dma_wait3A_53 = arith.constant 0 : i32
      %dma_wait3A_54 = tpu.memref_slice %arg2[%dma_wait3A_52, %dma_wait3A_53] : memref<1000000x64xf32, #tpu.memory_space<hbm>> -> memref<1000000x64xf32, #tpu.memory_space<hbm>>
      tpu.wait_indirect_dma semaphore(%arg9 : memref<!tpu.dma_semaphore, #tpu.memory_space<semaphore_mem>>) src(%dma_wait3A_54 : memref<1000000x64xf32, #tpu.memory_space<hbm>>) dst(%arg7 : memref<128x64xf32, #tpu.memory_space<vmem>>)
      %mul3A_55 = arith.constant 128 : i32
      %mul3A_56 = arith.muli %add3A_48, %mul3A_55 : i32
      %add3A_57 = arith.addi %mul3A_2, %mul3A_56 : i32
      %dma_start3A_58 = arith.constant 0 : i32
      %dma_start3A_59 = tpu.memref_slice %arg4[%add3A_57, %dma_start3A_58] : memref<204800x64xf32, #tpu.memory_space<hbm>> -> memref<128x64xf32, #tpu.memory_space<hbm>>
      %dma_start3A_60 = arith.constant 0 : i32
      %dma_start3A_61 = tpu.memref_slice %arg4[%add3A_57, %dma_start3A_60] : memref<204800x64xf32, #tpu.memory_space<hbm>> -> memref<128x64xf32, #tpu.memory_space<hbm>>
      tpu.enqueue_dma source(%arg7 : memref<128x64xf32, #tpu.memory_space<vmem>>) target(%dma_start3A_61 : memref<128x64xf32, #tpu.memory_space<hbm>>) target_semaphore(%arg11 : memref<!tpu.dma_semaphore, #tpu.memory_space<semaphore_mem>>)
      %ge3A_62 = arith.constant 1 : i32
      %ge3A_63 = arith.cmpi sge, %add3A_48, %ge3A_62 : i32
      %convert_element_type3A_64 = arith.extui %ge3A_63 : i1 to i32
      %cond3A_65 = arith.constant 0 : i32
      %cond3A_66 = arith.cmpi ne, %convert_element_type3A_64, %cond3A_65 : i32
      scf.if %cond3A_66 {
        %dma_wait3A_75 = arith.constant 0 : i32
        %dma_wait3A_76 = tpu.memref_slice %arg4[%mul3A_2, %dma_wait3A_75] : memref<204800x64xf32, #tpu.memory_space<hbm>> -> memref<128x64xf32, #tpu.memory_space<hbm>>
        %dma_wait3A_77 = arith.constant 0 : i32
        %dma_wait3A_78 = tpu.memref_slice %arg4[%mul3A_2, %dma_wait3A_77] : memref<204800x64xf32, #tpu.memory_space<hbm>> -> memref<128x64xf32, #tpu.memory_space<hbm>>
        tpu.wait_dma2 semaphore(%arg10 : memref<!tpu.dma_semaphore, #tpu.memory_space<semaphore_mem>>) src(%arg6 : memref<128x64xf32, #tpu.memory_space<vmem>>) dst(%dma_wait3A_78 : memref<128x64xf32, #tpu.memory_space<hbm>>)
      } else {
      }
      %add3A_67 = arith.constant 1 : i32
      %add3A_68 = arith.addi %add3A_48, %add3A_67 : i32
      %lt3A_69 = arith.constant 50 : i32
      %lt3A_70 = arith.cmpi slt, %add3A_68, %lt3A_69 : i32
      %convert_element_type3A_71 = arith.extui %lt3A_70 : i1 to i32
      %cond3A_72 = arith.constant 0 : i32
      %cond3A_73 = arith.cmpi ne, %convert_element_type3A_71, %cond3A_72 : i32
      scf.if %cond3A_73 {
        %add3A_75 = arith.constant 1 : i32
        %add3A_76 = arith.addi %add3A_48, %add3A_75 : i32
        %dma_start3A_77 = arith.constant 0 : i32
        %dma_start3A_78 = tpu.memref_slice %arg5[%add3A_76, %dma_start3A_77] : memref<50x128xi32, #tpu.memory_space<vmem>> -> memref<1x128xi32, #tpu.memory_space<vmem>>
        %dma_start3A_79 = tpu.memref_squeeze %dma_start3A_78 : memref<1x128xi32, #tpu.memory_space<vmem>> -> memref<128xi32, #tpu.memory_space<vmem>>
        %dma_start3A_80 = arith.constant 0 : i32
        %dma_start3A_81 = arith.constant 0 : i32
        %dma_start3A_82 = tpu.memref_slice %arg2[%dma_start3A_80, %dma_start3A_81] : memref<1000000x64xf32, #tpu.memory_space<hbm>> -> memref<1000000x64xf32, #tpu.memory_space<hbm>>
        tpu.enqueue_indirect_dma source(%dma_start3A_82 : memref<1000000x64xf32, #tpu.memory_space<hbm>>) target(%arg6 : memref<128x64xf32, #tpu.memory_space<vmem>>) offsets(%dma_start3A_79 : memref<128xi32, #tpu.memory_space<vmem>>) semaphore(%arg8 : memref<!tpu.dma_semaphore, #tpu.memory_space<semaphore_mem>>)
      } else {
      }
      %scan3A_74 = arith.constant 0 : i32
      scf.yield %scan3A_74 : i32
    }
    %scan3A_14 = arith.constant 25 : i32
    %dma_wait3A = arith.constant 0 : i32
    %dma_wait3A_15 = tpu.memref_slice %arg4[%mul3A_2, %dma_wait3A] : memref<204800x64xf32, #tpu.memory_space<hbm>> -> memref<128x64xf32, #tpu.memory_space<hbm>>
    %dma_wait3A_16 = arith.constant 0 : i32
    %dma_wait3A_17 = tpu.memref_slice %arg4[%mul3A_2, %dma_wait3A_16] : memref<204800x64xf32, #tpu.memory_space<hbm>> -> memref<128x64xf32, #tpu.memory_space<hbm>>
    tpu.wait_dma2 semaphore(%arg11 : memref<!tpu.dma_semaphore, #tpu.memory_space<semaphore_mem>>) src(%arg7 : memref<128x64xf32, #tpu.memory_space<vmem>>) dst(%dma_wait3A_17 : memref<128x64xf32, #tpu.memory_space<hbm>>)
    return
  }
}

#map = affine_map<(d0, d1) -> (0, 0)>
#map1 = affine_map<(d0, d1) -> (0, 0, 0)>
module attributes {stable_mosaic.version = 14 : i64} {
  func.func @_sc_gather_body(%arg0: i32, %arg1: i32, %arg2: memref<1000000x64xf32, #tpu.memory_space<hbm>>, %arg3: memref<32x50x128xi32, #tpu.memory_space<hbm>>, %arg4: memref<204800x64xf32, #tpu.memory_space<hbm>>, %arg5: memref<50x128xi32, #tpu.memory_space<vmem>>, %arg6: memref<128x64xf32, #tpu.memory_space<vmem>>, %arg7: memref<128x64xf32, #tpu.memory_space<vmem>>, %arg8: memref<!tpu.dma_semaphore, #tpu.memory_space<semaphore_mem>>, %arg9: memref<!tpu.dma_semaphore, #tpu.memory_space<semaphore_mem>>, %arg10: memref<!tpu.dma_semaphore, #tpu.memory_space<semaphore_mem>>, %arg11: memref<!tpu.dma_semaphore, #tpu.memory_space<semaphore_mem>>) attributes {dimension_semantics = [#tpu.dimension_semantics<core_parallel>, #tpu.dimension_semantics<subcore_parallel>], iteration_bounds = array<i64: 2, 16>, scalar_prefetch = 0 : i64, scratch_operands = 7 : i64, tpu.core_type = #tpu.core_type<sc_vector_subcore>, window_params = [{transform_indices = #map}, {transform_indices = #map1}, {transform_indices = #map}]} {
    %mul3A = arith.constant 2 : i32
    %mul3A_0 = arith.muli %arg1, %mul3A : i32
    %add3A = arith.addi %mul3A_0, %arg0 : i32
    %mul3A_1 = arith.constant 6400 : i32
    %mul3A_2 = arith.muli %add3A, %mul3A_1 : i32
    "tpu.region"() ({
      %run_scoped3A = tpu.sem_alloc : memref<!tpu.dma_semaphore, #tpu.memory_space<semaphore_mem>>
      %dma_start3A_18 = arith.constant 0 : i32
      %dma_start3A_19 = arith.constant 0 : i32
      %dma_start3A_20 = tpu.memref_slice %arg3[%add3A, %dma_start3A_18, %dma_start3A_19] : memref<32x50x128xi32, #tpu.memory_space<hbm>> -> memref<1x50x128xi32, #tpu.memory_space<hbm>>
      %dma_start3A_21 = tpu.memref_squeeze %dma_start3A_20 : memref<1x50x128xi32, #tpu.memory_space<hbm>> -> memref<50x128xi32, #tpu.memory_space<hbm>>
      %dma_start3A_22 = arith.constant 0 : i32
      %dma_start3A_23 = arith.constant 0 : i32
      %dma_start3A_24 = tpu.memref_slice %arg3[%add3A, %dma_start3A_22, %dma_start3A_23] : memref<32x50x128xi32, #tpu.memory_space<hbm>> -> memref<1x50x128xi32, #tpu.memory_space<hbm>>
      %dma_start3A_25 = tpu.memref_squeeze %dma_start3A_24 : memref<1x50x128xi32, #tpu.memory_space<hbm>> -> memref<50x128xi32, #tpu.memory_space<hbm>>
      tpu.enqueue_dma source(%dma_start3A_25 : memref<50x128xi32, #tpu.memory_space<hbm>>) target(%arg5 : memref<50x128xi32, #tpu.memory_space<vmem>>) target_semaphore(%run_scoped3A : memref<!tpu.dma_semaphore, #tpu.memory_space<semaphore_mem>>)
      %dma_wait3A_26 = arith.constant 0 : i32
      %dma_wait3A_27 = arith.constant 0 : i32
      %dma_wait3A_28 = tpu.memref_slice %arg3[%add3A, %dma_wait3A_26, %dma_wait3A_27] : memref<32x50x128xi32, #tpu.memory_space<hbm>> -> memref<1x50x128xi32, #tpu.memory_space<hbm>>
      %dma_wait3A_29 = tpu.memref_squeeze %dma_wait3A_28 : memref<1x50x128xi32, #tpu.memory_space<hbm>> -> memref<50x128xi32, #tpu.memory_space<hbm>>
      %dma_wait3A_30 = arith.constant 0 : i32
      %dma_wait3A_31 = arith.constant 0 : i32
      %dma_wait3A_32 = tpu.memref_slice %arg3[%add3A, %dma_wait3A_30, %dma_wait3A_31] : memref<32x50x128xi32, #tpu.memory_space<hbm>> -> memref<1x50x128xi32, #tpu.memory_space<hbm>>
      %dma_wait3A_33 = tpu.memref_squeeze %dma_wait3A_32 : memref<1x50x128xi32, #tpu.memory_space<hbm>> -> memref<50x128xi32, #tpu.memory_space<hbm>>
      tpu.wait_dma2 semaphore(%run_scoped3A : memref<!tpu.dma_semaphore, #tpu.memory_space<semaphore_mem>>) src(%dma_wait3A_33 : memref<50x128xi32, #tpu.memory_space<hbm>>) dst(%arg5 : memref<50x128xi32, #tpu.memory_space<vmem>>)
      tpu.yield
    }) : () -> ()
    %dma_start3A = arith.constant 0 : i32
    %dma_start3A_3 = arith.constant 0 : i32
    %dma_start3A_4 = tpu.memref_slice %arg5[%dma_start3A, %dma_start3A_3] : memref<50x128xi32, #tpu.memory_space<vmem>> -> memref<1x128xi32, #tpu.memory_space<vmem>>
    %dma_start3A_5 = tpu.memref_squeeze %dma_start3A_4 : memref<1x128xi32, #tpu.memory_space<vmem>> -> memref<128xi32, #tpu.memory_space<vmem>>
    %dma_start3A_6 = arith.constant 0 : i32
    %dma_start3A_7 = arith.constant 0 : i32
    %dma_start3A_8 = tpu.memref_slice %arg2[%dma_start3A_6, %dma_start3A_7] : memref<1000000x64xf32, #tpu.memory_space<hbm>> -> memref<1000000x64xf32, #tpu.memory_space<hbm>>
    tpu.enqueue_indirect_dma source(%dma_start3A_8 : memref<1000000x64xf32, #tpu.memory_space<hbm>>) target(%arg6 : memref<128x64xf32, #tpu.memory_space<vmem>>) offsets(%dma_start3A_5 : memref<128xi32, #tpu.memory_space<vmem>>) semaphore(%arg8 : memref<!tpu.dma_semaphore, #tpu.memory_space<semaphore_mem>>)
    %scan3A = arith.constant 0 : i32
    %scan3A_9 = arith.constant 0 : i32
    %scan3A_10 = arith.constant 25 : i32
    %scan3A_11 = arith.addi %scan3A_9, %scan3A_10 : i32
    %scan3A_12 = arith.constant 1 : i32
    %scan3A_13 = scf.for %scan3A_18 = %scan3A_9 to %scan3A_11 step %scan3A_12 iter_args(%scan3A_19 = %scan3A) -> (i32)  : i32 {
      %mul3A_20 = arith.constant 2 : i32
      %mul3A_21 = arith.muli %mul3A_20, %scan3A_18 : i32
      %add3A_22 = arith.constant 0 : i32
      %add3A_23 = arith.addi %mul3A_21, %add3A_22 : i32
      %dma_wait3A_24 = arith.constant 0 : i32
      %dma_wait3A_25 = tpu.memref_slice %arg5[%add3A_23, %dma_wait3A_24] : memref<50x128xi32, #tpu.memory_space<vmem>> -> memref<1x128xi32, #tpu.memory_space<vmem>>
      %dma_wait3A_26 = tpu.memref_squeeze %dma_wait3A_25 : memref<1x128xi32, #tpu.memory_space<vmem>> -> memref<128xi32, #tpu.memory_space<vmem>>
      %dma_wait3A_27 = arith.constant 0 : i32
      %dma_wait3A_28 = arith.constant 0 : i32
      %dma_wait3A_29 = tpu.memref_slice %arg2[%dma_wait3A_27, %dma_wait3A_28] : memref<1000000x64xf32, #tpu.memory_space<hbm>> -> memref<1000000x64xf32, #tpu.memory_space<hbm>>
      tpu.wait_indirect_dma semaphore(%arg8 : memref<!tpu.dma_semaphore, #tpu.memory_space<semaphore_mem>>) src(%dma_wait3A_29 : memref<1000000x64xf32, #tpu.memory_space<hbm>>) dst(%arg6 : memref<128x64xf32, #tpu.memory_space<vmem>>)
      %mul3A_30 = arith.constant 128 : i32
      %mul3A_31 = arith.muli %add3A_23, %mul3A_30 : i32
      %add3A_32 = arith.addi %mul3A_2, %mul3A_31 : i32
      %dma_start3A_33 = arith.constant 0 : i32
      %dma_start3A_34 = tpu.memref_slice %arg4[%add3A_32, %dma_start3A_33] : memref<204800x64xf32, #tpu.memory_space<hbm>> -> memref<128x64xf32, #tpu.memory_space<hbm>>
      %dma_start3A_35 = arith.constant 0 : i32
      %dma_start3A_36 = tpu.memref_slice %arg4[%add3A_32, %dma_start3A_35] : memref<204800x64xf32, #tpu.memory_space<hbm>> -> memref<128x64xf32, #tpu.memory_space<hbm>>
      tpu.enqueue_dma source(%arg6 : memref<128x64xf32, #tpu.memory_space<vmem>>) target(%dma_start3A_36 : memref<128x64xf32, #tpu.memory_space<hbm>>) target_semaphore(%arg10 : memref<!tpu.dma_semaphore, #tpu.memory_space<semaphore_mem>>)
      %ge3A = arith.constant 1 : i32
      %ge3A_37 = arith.cmpi sge, %add3A_23, %ge3A : i32
      %convert_element_type3A = arith.extui %ge3A_37 : i1 to i32
      %cond3A = arith.constant 0 : i32
      %cond3A_38 = arith.cmpi ne, %convert_element_type3A, %cond3A : i32
      scf.if %cond3A_38 {
        %dma_wait3A_75 = arith.constant 0 : i32
        %dma_wait3A_76 = tpu.memref_slice %arg4[%mul3A_2, %dma_wait3A_75] : memref<204800x64xf32, #tpu.memory_space<hbm>> -> memref<128x64xf32, #tpu.memory_space<hbm>>
        %dma_wait3A_77 = arith.constant 0 : i32
        %dma_wait3A_78 = tpu.memref_slice %arg4[%mul3A_2, %dma_wait3A_77] : memref<204800x64xf32, #tpu.memory_space<hbm>> -> memref<128x64xf32, #tpu.memory_space<hbm>>
        tpu.wait_dma2 semaphore(%arg11 : memref<!tpu.dma_semaphore, #tpu.memory_space<semaphore_mem>>) src(%arg7 : memref<128x64xf32, #tpu.memory_space<vmem>>) dst(%dma_wait3A_78 : memref<128x64xf32, #tpu.memory_space<hbm>>)
      } else {
      }
      %add3A_39 = arith.constant 1 : i32
      %add3A_40 = arith.addi %add3A_23, %add3A_39 : i32
      %lt3A = arith.constant 50 : i32
      %lt3A_41 = arith.cmpi slt, %add3A_40, %lt3A : i32
      %convert_element_type3A_42 = arith.extui %lt3A_41 : i1 to i32
      %cond3A_43 = arith.constant 0 : i32
      %cond3A_44 = arith.cmpi ne, %convert_element_type3A_42, %cond3A_43 : i32
      scf.if %cond3A_44 {
        %add3A_75 = arith.constant 1 : i32
        %add3A_76 = arith.addi %add3A_23, %add3A_75 : i32
        %dma_start3A_77 = arith.constant 0 : i32
        %dma_start3A_78 = tpu.memref_slice %arg5[%add3A_76, %dma_start3A_77] : memref<50x128xi32, #tpu.memory_space<vmem>> -> memref<1x128xi32, #tpu.memory_space<vmem>>
        %dma_start3A_79 = tpu.memref_squeeze %dma_start3A_78 : memref<1x128xi32, #tpu.memory_space<vmem>> -> memref<128xi32, #tpu.memory_space<vmem>>
        %dma_start3A_80 = arith.constant 0 : i32
        %dma_start3A_81 = arith.constant 0 : i32
        %dma_start3A_82 = tpu.memref_slice %arg2[%dma_start3A_80, %dma_start3A_81] : memref<1000000x64xf32, #tpu.memory_space<hbm>> -> memref<1000000x64xf32, #tpu.memory_space<hbm>>
        tpu.enqueue_indirect_dma source(%dma_start3A_82 : memref<1000000x64xf32, #tpu.memory_space<hbm>>) target(%arg7 : memref<128x64xf32, #tpu.memory_space<vmem>>) offsets(%dma_start3A_79 : memref<128xi32, #tpu.memory_space<vmem>>) semaphore(%arg9 : memref<!tpu.dma_semaphore, #tpu.memory_space<semaphore_mem>>)
      } else {
      }
      %mul3A_45 = arith.constant 2 : i32
      %mul3A_46 = arith.muli %mul3A_45, %scan3A_18 : i32
      %add3A_47 = arith.constant 1 : i32
      %add3A_48 = arith.addi %mul3A_46, %add3A_47 : i32
      %dma_wait3A_49 = arith.constant 0 : i32
      %dma_wait3A_50 = tpu.memref_slice %arg5[%add3A_48, %dma_wait3A_49] : memref<50x128xi32, #tpu.memory_space<vmem>> -> memref<1x128xi32, #tpu.memory_space<vmem>>
      %dma_wait3A_51 = tpu.memref_squeeze %dma_wait3A_50 : memref<1x128xi32, #tpu.memory_space<vmem>> -> memref<128xi32, #tpu.memory_space<vmem>>
      %dma_wait3A_52 = arith.constant 0 : i32
      %dma_wait3A_53 = arith.constant 0 : i32
      %dma_wait3A_54 = tpu.memref_slice %arg2[%dma_wait3A_52, %dma_wait3A_53] : memref<1000000x64xf32, #tpu.memory_space<hbm>> -> memref<1000000x64xf32, #tpu.memory_space<hbm>>
      tpu.wait_indirect_dma semaphore(%arg9 : memref<!tpu.dma_semaphore, #tpu.memory_space<semaphore_mem>>) src(%dma_wait3A_54 : memref<1000000x64xf32, #tpu.memory_space<hbm>>) dst(%arg7 : memref<128x64xf32, #tpu.memory_space<vmem>>)
      %mul3A_55 = arith.constant 128 : i32
      %mul3A_56 = arith.muli %add3A_48, %mul3A_55 : i32
      %add3A_57 = arith.addi %mul3A_2, %mul3A_56 : i32
      %dma_start3A_58 = arith.constant 0 : i32
      %dma_start3A_59 = tpu.memref_slice %arg4[%add3A_57, %dma_start3A_58] : memref<204800x64xf32, #tpu.memory_space<hbm>> -> memref<128x64xf32, #tpu.memory_space<hbm>>
      %dma_start3A_60 = arith.constant 0 : i32
      %dma_start3A_61 = tpu.memref_slice %arg4[%add3A_57, %dma_start3A_60] : memref<204800x64xf32, #tpu.memory_space<hbm>> -> memref<128x64xf32, #tpu.memory_space<hbm>>
      tpu.enqueue_dma source(%arg7 : memref<128x64xf32, #tpu.memory_space<vmem>>) target(%dma_start3A_61 : memref<128x64xf32, #tpu.memory_space<hbm>>) target_semaphore(%arg11 : memref<!tpu.dma_semaphore, #tpu.memory_space<semaphore_mem>>)
      %ge3A_62 = arith.constant 1 : i32
      %ge3A_63 = arith.cmpi sge, %add3A_48, %ge3A_62 : i32
      %convert_element_type3A_64 = arith.extui %ge3A_63 : i1 to i32
      %cond3A_65 = arith.constant 0 : i32
      %cond3A_66 = arith.cmpi ne, %convert_element_type3A_64, %cond3A_65 : i32
      scf.if %cond3A_66 {
        %dma_wait3A_75 = arith.constant 0 : i32
        %dma_wait3A_76 = tpu.memref_slice %arg4[%mul3A_2, %dma_wait3A_75] : memref<204800x64xf32, #tpu.memory_space<hbm>> -> memref<128x64xf32, #tpu.memory_space<hbm>>
        %dma_wait3A_77 = arith.constant 0 : i32
        %dma_wait3A_78 = tpu.memref_slice %arg4[%mul3A_2, %dma_wait3A_77] : memref<204800x64xf32, #tpu.memory_space<hbm>> -> memref<128x64xf32, #tpu.memory_space<hbm>>
        tpu.wait_dma2 semaphore(%arg10 : memref<!tpu.dma_semaphore, #tpu.memory_space<semaphore_mem>>) src(%arg6 : memref<128x64xf32, #tpu.memory_space<vmem>>) dst(%dma_wait3A_78 : memref<128x64xf32, #tpu.memory_space<hbm>>)
      } else {
      }
      %add3A_67 = arith.constant 1 : i32
      %add3A_68 = arith.addi %add3A_48, %add3A_67 : i32
      %lt3A_69 = arith.constant 50 : i32
      %lt3A_70 = arith.cmpi slt, %add3A_68, %lt3A_69 : i32
      %convert_element_type3A_71 = arith.extui %lt3A_70 : i1 to i32
      %cond3A_72 = arith.constant 0 : i32
      %cond3A_73 = arith.cmpi ne, %convert_element_type3A_71, %cond3A_72 : i32
      scf.if %cond3A_73 {
        %add3A_75 = arith.constant 1 : i32
        %add3A_76 = arith.addi %add3A_48, %add3A_75 : i32
        %dma_start3A_77 = arith.constant 0 : i32
        %dma_start3A_78 = tpu.memref_slice %arg5[%add3A_76, %dma_start3A_77] : memref<50x128xi32, #tpu.memory_space<vmem>> -> memref<1x128xi32, #tpu.memory_space<vmem>>
        %dma_start3A_79 = tpu.memref_squeeze %dma_start3A_78 : memref<1x128xi32, #tpu.memory_space<vmem>> -> memref<128xi32, #tpu.memory_space<vmem>>
        %dma_start3A_80 = arith.constant 0 : i32
        %dma_start3A_81 = arith.constant 0 : i32
        %dma_start3A_82 = tpu.memref_slice %arg2[%dma_start3A_80, %dma_start3A_81] : memref<1000000x64xf32, #tpu.memory_space<hbm>> -> memref<1000000x64xf32, #tpu.memory_space<hbm>>
        tpu.enqueue_indirect_dma source(%dma_start3A_82 : memref<1000000x64xf32, #tpu.memory_space<hbm>>) target(%arg6 : memref<128x64xf32, #tpu.memory_space<vmem>>) offsets(%dma_start3A_79 : memref<128xi32, #tpu.memory_space<vmem>>) semaphore(%arg8 : memref<!tpu.dma_semaphore, #tpu.memory_space<semaphore_mem>>)
      } else {
      }
      %scan3A_74 = arith.constant 0 : i32
      scf.yield %scan3A_74 : i32
    }
    %scan3A_14 = arith.constant 25 : i32
    %dma_wait3A = arith.constant 0 : i32
    %dma_wait3A_15 = tpu.memref_slice %arg4[%mul3A_2, %dma_wait3A] : memref<204800x64xf32, #tpu.memory_space<hbm>> -> memref<128x64xf32, #tpu.memory_space<hbm>>
    %dma_wait3A_16 = arith.constant 0 : i32
    %dma_wait3A_17 = tpu.memref_slice %arg4[%mul3A_2, %dma_wait3A_16] : memref<204800x64xf32, #tpu.memory_space<hbm>> -> memref<128x64xf32, #tpu.memory_space<hbm>>
    tpu.wait_dma2 semaphore(%arg11 : memref<!tpu.dma_semaphore, #tpu.memory_space<semaphore_mem>>) src(%arg7 : memref<128x64xf32, #tpu.memory_space<vmem>>) dst(%dma_wait3A_17 : memref<128x64xf32, #tpu.memory_space<hbm>>)
    return
  }
}

#map = affine_map<(d0, d1) -> (0, 0)>
#map1 = affine_map<(d0, d1) -> (0, 0, 0)>
module attributes {stable_mosaic.version = 14 : i64} {
  func.func @_sc_gather_body(%arg0: i32, %arg1: i32, %arg2: memref<1000000x64xf32, #tpu.memory_space<hbm>>, %arg3: memref<32x50x128xi32, #tpu.memory_space<hbm>>, %arg4: memref<204800x64xf32, #tpu.memory_space<hbm>>, %arg5: memref<50x128xi32, #tpu.memory_space<vmem>>, %arg6: memref<128x64xf32, #tpu.memory_space<vmem>>, %arg7: memref<128x64xf32, #tpu.memory_space<vmem>>, %arg8: memref<!tpu.dma_semaphore, #tpu.memory_space<semaphore_mem>>, %arg9: memref<!tpu.dma_semaphore, #tpu.memory_space<semaphore_mem>>, %arg10: memref<!tpu.dma_semaphore, #tpu.memory_space<semaphore_mem>>, %arg11: memref<!tpu.dma_semaphore, #tpu.memory_space<semaphore_mem>>) attributes {dimension_semantics = [#tpu.dimension_semantics<core_parallel>, #tpu.dimension_semantics<subcore_parallel>], iteration_bounds = array<i64: 2, 16>, scalar_prefetch = 0 : i64, scratch_operands = 7 : i64, tpu.core_type = #tpu.core_type<sc_vector_subcore>, window_params = [{transform_indices = #map}, {transform_indices = #map1}, {transform_indices = #map}]} {
    %mul3A = arith.constant 2 : i32
    %mul3A_0 = arith.muli %arg1, %mul3A : i32
    %add3A = arith.addi %mul3A_0, %arg0 : i32
    %mul3A_1 = arith.constant 6400 : i32
    %mul3A_2 = arith.muli %add3A, %mul3A_1 : i32
    "tpu.region"() ({
      %run_scoped3A = tpu.sem_alloc : memref<!tpu.dma_semaphore, #tpu.memory_space<semaphore_mem>>
      %dma_start3A_18 = arith.constant 0 : i32
      %dma_start3A_19 = arith.constant 0 : i32
      %dma_start3A_20 = tpu.memref_slice %arg3[%add3A, %dma_start3A_18, %dma_start3A_19] : memref<32x50x128xi32, #tpu.memory_space<hbm>> -> memref<1x50x128xi32, #tpu.memory_space<hbm>>
      %dma_start3A_21 = tpu.memref_squeeze %dma_start3A_20 : memref<1x50x128xi32, #tpu.memory_space<hbm>> -> memref<50x128xi32, #tpu.memory_space<hbm>>
      %dma_start3A_22 = arith.constant 0 : i32
      %dma_start3A_23 = arith.constant 0 : i32
      %dma_start3A_24 = tpu.memref_slice %arg3[%add3A, %dma_start3A_22, %dma_start3A_23] : memref<32x50x128xi32, #tpu.memory_space<hbm>> -> memref<1x50x128xi32, #tpu.memory_space<hbm>>
      %dma_start3A_25 = tpu.memref_squeeze %dma_start3A_24 : memref<1x50x128xi32, #tpu.memory_space<hbm>> -> memref<50x128xi32, #tpu.memory_space<hbm>>
      tpu.enqueue_dma source(%dma_start3A_25 : memref<50x128xi32, #tpu.memory_space<hbm>>) target(%arg5 : memref<50x128xi32, #tpu.memory_space<vmem>>) target_semaphore(%run_scoped3A : memref<!tpu.dma_semaphore, #tpu.memory_space<semaphore_mem>>)
      %dma_wait3A_26 = arith.constant 0 : i32
      %dma_wait3A_27 = arith.constant 0 : i32
      %dma_wait3A_28 = tpu.memref_slice %arg3[%add3A, %dma_wait3A_26, %dma_wait3A_27] : memref<32x50x128xi32, #tpu.memory_space<hbm>> -> memref<1x50x128xi32, #tpu.memory_space<hbm>>
      %dma_wait3A_29 = tpu.memref_squeeze %dma_wait3A_28 : memref<1x50x128xi32, #tpu.memory_space<hbm>> -> memref<50x128xi32, #tpu.memory_space<hbm>>
      %dma_wait3A_30 = arith.constant 0 : i32
      %dma_wait3A_31 = arith.constant 0 : i32
      %dma_wait3A_32 = tpu.memref_slice %arg3[%add3A, %dma_wait3A_30, %dma_wait3A_31] : memref<32x50x128xi32, #tpu.memory_space<hbm>> -> memref<1x50x128xi32, #tpu.memory_space<hbm>>
      %dma_wait3A_33 = tpu.memref_squeeze %dma_wait3A_32 : memref<1x50x128xi32, #tpu.memory_space<hbm>> -> memref<50x128xi32, #tpu.memory_space<hbm>>
      tpu.wait_dma2 semaphore(%run_scoped3A : memref<!tpu.dma_semaphore, #tpu.memory_space<semaphore_mem>>) src(%dma_wait3A_33 : memref<50x128xi32, #tpu.memory_space<hbm>>) dst(%arg5 : memref<50x128xi32, #tpu.memory_space<vmem>>)
      tpu.yield
    }) : () -> ()
    %dma_start3A = arith.constant 0 : i32
    %dma_start3A_3 = arith.constant 0 : i32
    %dma_start3A_4 = tpu.memref_slice %arg5[%dma_start3A, %dma_start3A_3] : memref<50x128xi32, #tpu.memory_space<vmem>> -> memref<1x128xi32, #tpu.memory_space<vmem>>
    %dma_start3A_5 = tpu.memref_squeeze %dma_start3A_4 : memref<1x128xi32, #tpu.memory_space<vmem>> -> memref<128xi32, #tpu.memory_space<vmem>>
    %dma_start3A_6 = arith.constant 0 : i32
    %dma_start3A_7 = arith.constant 0 : i32
    %dma_start3A_8 = tpu.memref_slice %arg2[%dma_start3A_6, %dma_start3A_7] : memref<1000000x64xf32, #tpu.memory_space<hbm>> -> memref<1000000x64xf32, #tpu.memory_space<hbm>>
    tpu.enqueue_indirect_dma source(%dma_start3A_8 : memref<1000000x64xf32, #tpu.memory_space<hbm>>) target(%arg6 : memref<128x64xf32, #tpu.memory_space<vmem>>) offsets(%dma_start3A_5 : memref<128xi32, #tpu.memory_space<vmem>>) semaphore(%arg8 : memref<!tpu.dma_semaphore, #tpu.memory_space<semaphore_mem>>)
    %scan3A = arith.constant 0 : i32
    %scan3A_9 = arith.constant 0 : i32
    %scan3A_10 = arith.constant 25 : i32
    %scan3A_11 = arith.addi %scan3A_9, %scan3A_10 : i32
    %scan3A_12 = arith.constant 1 : i32
    %scan3A_13 = scf.for %scan3A_18 = %scan3A_9 to %scan3A_11 step %scan3A_12 iter_args(%scan3A_19 = %scan3A) -> (i32)  : i32 {
      %mul3A_20 = arith.constant 2 : i32
      %mul3A_21 = arith.muli %mul3A_20, %scan3A_18 : i32
      %add3A_22 = arith.constant 0 : i32
      %add3A_23 = arith.addi %mul3A_21, %add3A_22 : i32
      %dma_wait3A_24 = arith.constant 0 : i32
      %dma_wait3A_25 = tpu.memref_slice %arg5[%add3A_23, %dma_wait3A_24] : memref<50x128xi32, #tpu.memory_space<vmem>> -> memref<1x128xi32, #tpu.memory_space<vmem>>
      %dma_wait3A_26 = tpu.memref_squeeze %dma_wait3A_25 : memref<1x128xi32, #tpu.memory_space<vmem>> -> memref<128xi32, #tpu.memory_space<vmem>>
      %dma_wait3A_27 = arith.constant 0 : i32
      %dma_wait3A_28 = arith.constant 0 : i32
      %dma_wait3A_29 = tpu.memref_slice %arg2[%dma_wait3A_27, %dma_wait3A_28] : memref<1000000x64xf32, #tpu.memory_space<hbm>> -> memref<1000000x64xf32, #tpu.memory_space<hbm>>
      tpu.wait_indirect_dma semaphore(%arg8 : memref<!tpu.dma_semaphore, #tpu.memory_space<semaphore_mem>>) src(%dma_wait3A_29 : memref<1000000x64xf32, #tpu.memory_space<hbm>>) dst(%arg6 : memref<128x64xf32, #tpu.memory_space<vmem>>)
      %mul3A_30 = arith.constant 128 : i32
      %mul3A_31 = arith.muli %add3A_23, %mul3A_30 : i32
      %add3A_32 = arith.addi %mul3A_2, %mul3A_31 : i32
      %dma_start3A_33 = arith.constant 0 : i32
      %dma_start3A_34 = tpu.memref_slice %arg4[%add3A_32, %dma_start3A_33] : memref<204800x64xf32, #tpu.memory_space<hbm>> -> memref<128x64xf32, #tpu.memory_space<hbm>>
      %dma_start3A_35 = arith.constant 0 : i32
      %dma_start3A_36 = tpu.memref_slice %arg4[%add3A_32, %dma_start3A_35] : memref<204800x64xf32, #tpu.memory_space<hbm>> -> memref<128x64xf32, #tpu.memory_space<hbm>>
      tpu.enqueue_dma source(%arg6 : memref<128x64xf32, #tpu.memory_space<vmem>>) target(%dma_start3A_36 : memref<128x64xf32, #tpu.memory_space<hbm>>) target_semaphore(%arg10 : memref<!tpu.dma_semaphore, #tpu.memory_space<semaphore_mem>>)
      %ge3A = arith.constant 1 : i32
      %ge3A_37 = arith.cmpi sge, %add3A_23, %ge3A : i32
      %convert_element_type3A = arith.extui %ge3A_37 : i1 to i32
      %cond3A = arith.constant 0 : i32
      %cond3A_38 = arith.cmpi ne, %convert_element_type3A, %cond3A : i32
      scf.if %cond3A_38 {
        %dma_wait3A_75 = arith.constant 0 : i32
        %dma_wait3A_76 = tpu.memref_slice %arg4[%mul3A_2, %dma_wait3A_75] : memref<204800x64xf32, #tpu.memory_space<hbm>> -> memref<128x64xf32, #tpu.memory_space<hbm>>
        %dma_wait3A_77 = arith.constant 0 : i32
        %dma_wait3A_78 = tpu.memref_slice %arg4[%mul3A_2, %dma_wait3A_77] : memref<204800x64xf32, #tpu.memory_space<hbm>> -> memref<128x64xf32, #tpu.memory_space<hbm>>
        tpu.wait_dma2 semaphore(%arg11 : memref<!tpu.dma_semaphore, #tpu.memory_space<semaphore_mem>>) src(%arg7 : memref<128x64xf32, #tpu.memory_space<vmem>>) dst(%dma_wait3A_78 : memref<128x64xf32, #tpu.memory_space<hbm>>)
      } else {
      }
      %add3A_39 = arith.constant 1 : i32
      %add3A_40 = arith.addi %add3A_23, %add3A_39 : i32
      %lt3A = arith.constant 50 : i32
      %lt3A_41 = arith.cmpi slt, %add3A_40, %lt3A : i32
      %convert_element_type3A_42 = arith.extui %lt3A_41 : i1 to i32
      %cond3A_43 = arith.constant 0 : i32
      %cond3A_44 = arith.cmpi ne, %convert_element_type3A_42, %cond3A_43 : i32
      scf.if %cond3A_44 {
        %add3A_75 = arith.constant 1 : i32
        %add3A_76 = arith.addi %add3A_23, %add3A_75 : i32
        %dma_start3A_77 = arith.constant 0 : i32
        %dma_start3A_78 = tpu.memref_slice %arg5[%add3A_76, %dma_start3A_77] : memref<50x128xi32, #tpu.memory_space<vmem>> -> memref<1x128xi32, #tpu.memory_space<vmem>>
        %dma_start3A_79 = tpu.memref_squeeze %dma_start3A_78 : memref<1x128xi32, #tpu.memory_space<vmem>> -> memref<128xi32, #tpu.memory_space<vmem>>
        %dma_start3A_80 = arith.constant 0 : i32
        %dma_start3A_81 = arith.constant 0 : i32
        %dma_start3A_82 = tpu.memref_slice %arg2[%dma_start3A_80, %dma_start3A_81] : memref<1000000x64xf32, #tpu.memory_space<hbm>> -> memref<1000000x64xf32, #tpu.memory_space<hbm>>
        tpu.enqueue_indirect_dma source(%dma_start3A_82 : memref<1000000x64xf32, #tpu.memory_space<hbm>>) target(%arg7 : memref<128x64xf32, #tpu.memory_space<vmem>>) offsets(%dma_start3A_79 : memref<128xi32, #tpu.memory_space<vmem>>) semaphore(%arg9 : memref<!tpu.dma_semaphore, #tpu.memory_space<semaphore_mem>>)
      } else {
      }
      %mul3A_45 = arith.constant 2 : i32
      %mul3A_46 = arith.muli %mul3A_45, %scan3A_18 : i32
      %add3A_47 = arith.constant 1 : i32
      %add3A_48 = arith.addi %mul3A_46, %add3A_47 : i32
      %dma_wait3A_49 = arith.constant 0 : i32
      %dma_wait3A_50 = tpu.memref_slice %arg5[%add3A_48, %dma_wait3A_49] : memref<50x128xi32, #tpu.memory_space<vmem>> -> memref<1x128xi32, #tpu.memory_space<vmem>>
      %dma_wait3A_51 = tpu.memref_squeeze %dma_wait3A_50 : memref<1x128xi32, #tpu.memory_space<vmem>> -> memref<128xi32, #tpu.memory_space<vmem>>
      %dma_wait3A_52 = arith.constant 0 : i32
      %dma_wait3A_53 = arith.constant 0 : i32
      %dma_wait3A_54 = tpu.memref_slice %arg2[%dma_wait3A_52, %dma_wait3A_53] : memref<1000000x64xf32, #tpu.memory_space<hbm>> -> memref<1000000x64xf32, #tpu.memory_space<hbm>>
      tpu.wait_indirect_dma semaphore(%arg9 : memref<!tpu.dma_semaphore, #tpu.memory_space<semaphore_mem>>) src(%dma_wait3A_54 : memref<1000000x64xf32, #tpu.memory_space<hbm>>) dst(%arg7 : memref<128x64xf32, #tpu.memory_space<vmem>>)
      %mul3A_55 = arith.constant 128 : i32
      %mul3A_56 = arith.muli %add3A_48, %mul3A_55 : i32
      %add3A_57 = arith.addi %mul3A_2, %mul3A_56 : i32
      %dma_start3A_58 = arith.constant 0 : i32
      %dma_start3A_59 = tpu.memref_slice %arg4[%add3A_57, %dma_start3A_58] : memref<204800x64xf32, #tpu.memory_space<hbm>> -> memref<128x64xf32, #tpu.memory_space<hbm>>
      %dma_start3A_60 = arith.constant 0 : i32
      %dma_start3A_61 = tpu.memref_slice %arg4[%add3A_57, %dma_start3A_60] : memref<204800x64xf32, #tpu.memory_space<hbm>> -> memref<128x64xf32, #tpu.memory_space<hbm>>
      tpu.enqueue_dma source(%arg7 : memref<128x64xf32, #tpu.memory_space<vmem>>) target(%dma_start3A_61 : memref<128x64xf32, #tpu.memory_space<hbm>>) target_semaphore(%arg11 : memref<!tpu.dma_semaphore, #tpu.memory_space<semaphore_mem>>)
      %ge3A_62 = arith.constant 1 : i32
      %ge3A_63 = arith.cmpi sge, %add3A_48, %ge3A_62 : i32
      %convert_element_type3A_64 = arith.extui %ge3A_63 : i1 to i32
      %cond3A_65 = arith.constant 0 : i32
      %cond3A_66 = arith.cmpi ne, %convert_element_type3A_64, %cond3A_65 : i32
      scf.if %cond3A_66 {
        %dma_wait3A_75 = arith.constant 0 : i32
        %dma_wait3A_76 = tpu.memref_slice %arg4[%mul3A_2, %dma_wait3A_75] : memref<204800x64xf32, #tpu.memory_space<hbm>> -> memref<128x64xf32, #tpu.memory_space<hbm>>
        %dma_wait3A_77 = arith.constant 0 : i32
        %dma_wait3A_78 = tpu.memref_slice %arg4[%mul3A_2, %dma_wait3A_77] : memref<204800x64xf32, #tpu.memory_space<hbm>> -> memref<128x64xf32, #tpu.memory_space<hbm>>
        tpu.wait_dma2 semaphore(%arg10 : memref<!tpu.dma_semaphore, #tpu.memory_space<semaphore_mem>>) src(%arg6 : memref<128x64xf32, #tpu.memory_space<vmem>>) dst(%dma_wait3A_78 : memref<128x64xf32, #tpu.memory_space<hbm>>)
      } else {
      }
      %add3A_67 = arith.constant 1 : i32
      %add3A_68 = arith.addi %add3A_48, %add3A_67 : i32
      %lt3A_69 = arith.constant 50 : i32
      %lt3A_70 = arith.cmpi slt, %add3A_68, %lt3A_69 : i32
      %convert_element_type3A_71 = arith.extui %lt3A_70 : i1 to i32
      %cond3A_72 = arith.constant 0 : i32
      %cond3A_73 = arith.cmpi ne, %convert_element_type3A_71, %cond3A_72 : i32
      scf.if %cond3A_73 {
        %add3A_75 = arith.constant 1 : i32
        %add3A_76 = arith.addi %add3A_48, %add3A_75 : i32
        %dma_start3A_77 = arith.constant 0 : i32
        %dma_start3A_78 = tpu.memref_slice %arg5[%add3A_76, %dma_start3A_77] : memref<50x128xi32, #tpu.memory_space<vmem>> -> memref<1x128xi32, #tpu.memory_space<vmem>>
        %dma_start3A_79 = tpu.memref_squeeze %dma_start3A_78 : memref<1x128xi32, #tpu.memory_space<vmem>> -> memref<128xi32, #tpu.memory_space<vmem>>
        %dma_start3A_80 = arith.constant 0 : i32
        %dma_start3A_81 = arith.constant 0 : i32
        %dma_start3A_82 = tpu.memref_slice %arg2[%dma_start3A_80, %dma_start3A_81] : memref<1000000x64xf32, #tpu.memory_space<hbm>> -> memref<1000000x64xf32, #tpu.memory_space<hbm>>
        tpu.enqueue_indirect_dma source(%dma_start3A_82 : memref<1000000x64xf32, #tpu.memory_space<hbm>>) target(%arg6 : memref<128x64xf32, #tpu.memory_space<vmem>>) offsets(%dma_start3A_79 : memref<128xi32, #tpu.memory_space<vmem>>) semaphore(%arg8 : memref<!tpu.dma_semaphore, #tpu.memory_space<semaphore_mem>>)
      } else {
      }
      %scan3A_74 = arith.constant 0 : i32
      scf.yield %scan3A_74 : i32
    }
    %scan3A_14 = arith.constant 25 : i32
    %dma_wait3A = arith.constant 0 : i32
    %dma_wait3A_15 = tpu.memref_slice %arg4[%mul3A_2, %dma_wait3A] : memref<204800x64xf32, #tpu.memory_space<hbm>> -> memref<128x64xf32, #tpu.memory_space<hbm>>
    %dma_wait3A_16 = arith.constant 0 : i32
    %dma_wait3A_17 = tpu.memref_slice %arg4[%mul3A_2, %dma_wait3A_16] : memref<204800x64xf32, #tpu.memory_space<hbm>> -> memref<128x64xf32, #tpu.memory_space<hbm>>
    tpu.wait_dma2 semaphore(%arg11 : memref<!tpu.dma_semaphore, #tpu.memory_space<semaphore_mem>>) src(%arg7 : memref<128x64xf32, #tpu.memory_space<vmem>>) dst(%dma_wait3A_17 : memref<128x64xf32, #tpu.memory_space<hbm>>)
    return
  }
}

#map = affine_map<(d0, d1) -> (0, 0)>
#map1 = affine_map<(d0, d1) -> (0, 0, 0)>
module attributes {stable_mosaic.version = 14 : i64} {
  func.func @_sc_gather_body(%arg0: i32, %arg1: i32, %arg2: memref<1000000x64xf32, #tpu.memory_space<hbm>>, %arg3: memref<32x50x128xi32, #tpu.memory_space<hbm>>, %arg4: memref<204800x64xf32, #tpu.memory_space<hbm>>, %arg5: memref<50x128xi32, #tpu.memory_space<vmem>>, %arg6: memref<128x64xf32, #tpu.memory_space<vmem>>, %arg7: memref<128x64xf32, #tpu.memory_space<vmem>>, %arg8: memref<!tpu.dma_semaphore, #tpu.memory_space<semaphore_mem>>, %arg9: memref<!tpu.dma_semaphore, #tpu.memory_space<semaphore_mem>>, %arg10: memref<!tpu.dma_semaphore, #tpu.memory_space<semaphore_mem>>, %arg11: memref<!tpu.dma_semaphore, #tpu.memory_space<semaphore_mem>>) attributes {dimension_semantics = [#tpu.dimension_semantics<core_parallel>, #tpu.dimension_semantics<subcore_parallel>], iteration_bounds = array<i64: 2, 16>, scalar_prefetch = 0 : i64, scratch_operands = 7 : i64, tpu.core_type = #tpu.core_type<sc_vector_subcore>, window_params = [{transform_indices = #map}, {transform_indices = #map1}, {transform_indices = #map}]} {
    %mul3A = arith.constant 2 : i32
    %mul3A_0 = arith.muli %arg1, %mul3A : i32
    %add3A = arith.addi %mul3A_0, %arg0 : i32
    %mul3A_1 = arith.constant 6400 : i32
    %mul3A_2 = arith.muli %add3A, %mul3A_1 : i32
    "tpu.region"() ({
      %run_scoped3A = tpu.sem_alloc : memref<!tpu.dma_semaphore, #tpu.memory_space<semaphore_mem>>
      %dma_start3A_18 = arith.constant 0 : i32
      %dma_start3A_19 = arith.constant 0 : i32
      %dma_start3A_20 = tpu.memref_slice %arg3[%add3A, %dma_start3A_18, %dma_start3A_19] : memref<32x50x128xi32, #tpu.memory_space<hbm>> -> memref<1x50x128xi32, #tpu.memory_space<hbm>>
      %dma_start3A_21 = tpu.memref_squeeze %dma_start3A_20 : memref<1x50x128xi32, #tpu.memory_space<hbm>> -> memref<50x128xi32, #tpu.memory_space<hbm>>
      %dma_start3A_22 = arith.constant 0 : i32
      %dma_start3A_23 = arith.constant 0 : i32
      %dma_start3A_24 = tpu.memref_slice %arg3[%add3A, %dma_start3A_22, %dma_start3A_23] : memref<32x50x128xi32, #tpu.memory_space<hbm>> -> memref<1x50x128xi32, #tpu.memory_space<hbm>>
      %dma_start3A_25 = tpu.memref_squeeze %dma_start3A_24 : memref<1x50x128xi32, #tpu.memory_space<hbm>> -> memref<50x128xi32, #tpu.memory_space<hbm>>
      tpu.enqueue_dma source(%dma_start3A_25 : memref<50x128xi32, #tpu.memory_space<hbm>>) target(%arg5 : memref<50x128xi32, #tpu.memory_space<vmem>>) target_semaphore(%run_scoped3A : memref<!tpu.dma_semaphore, #tpu.memory_space<semaphore_mem>>)
      %dma_wait3A_26 = arith.constant 0 : i32
      %dma_wait3A_27 = arith.constant 0 : i32
      %dma_wait3A_28 = tpu.memref_slice %arg3[%add3A, %dma_wait3A_26, %dma_wait3A_27] : memref<32x50x128xi32, #tpu.memory_space<hbm>> -> memref<1x50x128xi32, #tpu.memory_space<hbm>>
      %dma_wait3A_29 = tpu.memref_squeeze %dma_wait3A_28 : memref<1x50x128xi32, #tpu.memory_space<hbm>> -> memref<50x128xi32, #tpu.memory_space<hbm>>
      %dma_wait3A_30 = arith.constant 0 : i32
      %dma_wait3A_31 = arith.constant 0 : i32
      %dma_wait3A_32 = tpu.memref_slice %arg3[%add3A, %dma_wait3A_30, %dma_wait3A_31] : memref<32x50x128xi32, #tpu.memory_space<hbm>> -> memref<1x50x128xi32, #tpu.memory_space<hbm>>
      %dma_wait3A_33 = tpu.memref_squeeze %dma_wait3A_32 : memref<1x50x128xi32, #tpu.memory_space<hbm>> -> memref<50x128xi32, #tpu.memory_space<hbm>>
      tpu.wait_dma2 semaphore(%run_scoped3A : memref<!tpu.dma_semaphore, #tpu.memory_space<semaphore_mem>>) src(%dma_wait3A_33 : memref<50x128xi32, #tpu.memory_space<hbm>>) dst(%arg5 : memref<50x128xi32, #tpu.memory_space<vmem>>)
      tpu.yield
    }) : () -> ()
    %dma_start3A = arith.constant 0 : i32
    %dma_start3A_3 = arith.constant 0 : i32
    %dma_start3A_4 = tpu.memref_slice %arg5[%dma_start3A, %dma_start3A_3] : memref<50x128xi32, #tpu.memory_space<vmem>> -> memref<1x128xi32, #tpu.memory_space<vmem>>
    %dma_start3A_5 = tpu.memref_squeeze %dma_start3A_4 : memref<1x128xi32, #tpu.memory_space<vmem>> -> memref<128xi32, #tpu.memory_space<vmem>>
    %dma_start3A_6 = arith.constant 0 : i32
    %dma_start3A_7 = arith.constant 0 : i32
    %dma_start3A_8 = tpu.memref_slice %arg2[%dma_start3A_6, %dma_start3A_7] : memref<1000000x64xf32, #tpu.memory_space<hbm>> -> memref<1000000x64xf32, #tpu.memory_space<hbm>>
    tpu.enqueue_indirect_dma source(%dma_start3A_8 : memref<1000000x64xf32, #tpu.memory_space<hbm>>) target(%arg6 : memref<128x64xf32, #tpu.memory_space<vmem>>) offsets(%dma_start3A_5 : memref<128xi32, #tpu.memory_space<vmem>>) semaphore(%arg8 : memref<!tpu.dma_semaphore, #tpu.memory_space<semaphore_mem>>)
    %scan3A = arith.constant 0 : i32
    %scan3A_9 = arith.constant 0 : i32
    %scan3A_10 = arith.constant 25 : i32
    %scan3A_11 = arith.addi %scan3A_9, %scan3A_10 : i32
    %scan3A_12 = arith.constant 1 : i32
    %scan3A_13 = scf.for %scan3A_18 = %scan3A_9 to %scan3A_11 step %scan3A_12 iter_args(%scan3A_19 = %scan3A) -> (i32)  : i32 {
      %mul3A_20 = arith.constant 2 : i32
      %mul3A_21 = arith.muli %mul3A_20, %scan3A_18 : i32
      %add3A_22 = arith.constant 0 : i32
      %add3A_23 = arith.addi %mul3A_21, %add3A_22 : i32
      %dma_wait3A_24 = arith.constant 0 : i32
      %dma_wait3A_25 = tpu.memref_slice %arg5[%add3A_23, %dma_wait3A_24] : memref<50x128xi32, #tpu.memory_space<vmem>> -> memref<1x128xi32, #tpu.memory_space<vmem>>
      %dma_wait3A_26 = tpu.memref_squeeze %dma_wait3A_25 : memref<1x128xi32, #tpu.memory_space<vmem>> -> memref<128xi32, #tpu.memory_space<vmem>>
      %dma_wait3A_27 = arith.constant 0 : i32
      %dma_wait3A_28 = arith.constant 0 : i32
      %dma_wait3A_29 = tpu.memref_slice %arg2[%dma_wait3A_27, %dma_wait3A_28] : memref<1000000x64xf32, #tpu.memory_space<hbm>> -> memref<1000000x64xf32, #tpu.memory_space<hbm>>
      tpu.wait_indirect_dma semaphore(%arg8 : memref<!tpu.dma_semaphore, #tpu.memory_space<semaphore_mem>>) src(%dma_wait3A_29 : memref<1000000x64xf32, #tpu.memory_space<hbm>>) dst(%arg6 : memref<128x64xf32, #tpu.memory_space<vmem>>)
      %mul3A_30 = arith.constant 128 : i32
      %mul3A_31 = arith.muli %add3A_23, %mul3A_30 : i32
      %add3A_32 = arith.addi %mul3A_2, %mul3A_31 : i32
      %dma_start3A_33 = arith.constant 0 : i32
      %dma_start3A_34 = tpu.memref_slice %arg4[%add3A_32, %dma_start3A_33] : memref<204800x64xf32, #tpu.memory_space<hbm>> -> memref<128x64xf32, #tpu.memory_space<hbm>>
      %dma_start3A_35 = arith.constant 0 : i32
      %dma_start3A_36 = tpu.memref_slice %arg4[%add3A_32, %dma_start3A_35] : memref<204800x64xf32, #tpu.memory_space<hbm>> -> memref<128x64xf32, #tpu.memory_space<hbm>>
      tpu.enqueue_dma source(%arg6 : memref<128x64xf32, #tpu.memory_space<vmem>>) target(%dma_start3A_36 : memref<128x64xf32, #tpu.memory_space<hbm>>) target_semaphore(%arg10 : memref<!tpu.dma_semaphore, #tpu.memory_space<semaphore_mem>>)
      %ge3A = arith.constant 1 : i32
      %ge3A_37 = arith.cmpi sge, %add3A_23, %ge3A : i32
      %convert_element_type3A = arith.extui %ge3A_37 : i1 to i32
      %cond3A = arith.constant 0 : i32
      %cond3A_38 = arith.cmpi ne, %convert_element_type3A, %cond3A : i32
      scf.if %cond3A_38 {
        %dma_wait3A_75 = arith.constant 0 : i32
        %dma_wait3A_76 = tpu.memref_slice %arg4[%mul3A_2, %dma_wait3A_75] : memref<204800x64xf32, #tpu.memory_space<hbm>> -> memref<128x64xf32, #tpu.memory_space<hbm>>
        %dma_wait3A_77 = arith.constant 0 : i32
        %dma_wait3A_78 = tpu.memref_slice %arg4[%mul3A_2, %dma_wait3A_77] : memref<204800x64xf32, #tpu.memory_space<hbm>> -> memref<128x64xf32, #tpu.memory_space<hbm>>
        tpu.wait_dma2 semaphore(%arg11 : memref<!tpu.dma_semaphore, #tpu.memory_space<semaphore_mem>>) src(%arg7 : memref<128x64xf32, #tpu.memory_space<vmem>>) dst(%dma_wait3A_78 : memref<128x64xf32, #tpu.memory_space<hbm>>)
      } else {
      }
      %add3A_39 = arith.constant 1 : i32
      %add3A_40 = arith.addi %add3A_23, %add3A_39 : i32
      %lt3A = arith.constant 50 : i32
      %lt3A_41 = arith.cmpi slt, %add3A_40, %lt3A : i32
      %convert_element_type3A_42 = arith.extui %lt3A_41 : i1 to i32
      %cond3A_43 = arith.constant 0 : i32
      %cond3A_44 = arith.cmpi ne, %convert_element_type3A_42, %cond3A_43 : i32
      scf.if %cond3A_44 {
        %add3A_75 = arith.constant 1 : i32
        %add3A_76 = arith.addi %add3A_23, %add3A_75 : i32
        %dma_start3A_77 = arith.constant 0 : i32
        %dma_start3A_78 = tpu.memref_slice %arg5[%add3A_76, %dma_start3A_77] : memref<50x128xi32, #tpu.memory_space<vmem>> -> memref<1x128xi32, #tpu.memory_space<vmem>>
        %dma_start3A_79 = tpu.memref_squeeze %dma_start3A_78 : memref<1x128xi32, #tpu.memory_space<vmem>> -> memref<128xi32, #tpu.memory_space<vmem>>
        %dma_start3A_80 = arith.constant 0 : i32
        %dma_start3A_81 = arith.constant 0 : i32
        %dma_start3A_82 = tpu.memref_slice %arg2[%dma_start3A_80, %dma_start3A_81] : memref<1000000x64xf32, #tpu.memory_space<hbm>> -> memref<1000000x64xf32, #tpu.memory_space<hbm>>
        tpu.enqueue_indirect_dma source(%dma_start3A_82 : memref<1000000x64xf32, #tpu.memory_space<hbm>>) target(%arg7 : memref<128x64xf32, #tpu.memory_space<vmem>>) offsets(%dma_start3A_79 : memref<128xi32, #tpu.memory_space<vmem>>) semaphore(%arg9 : memref<!tpu.dma_semaphore, #tpu.memory_space<semaphore_mem>>)
      } else {
      }
      %mul3A_45 = arith.constant 2 : i32
      %mul3A_46 = arith.muli %mul3A_45, %scan3A_18 : i32
      %add3A_47 = arith.constant 1 : i32
      %add3A_48 = arith.addi %mul3A_46, %add3A_47 : i32
      %dma_wait3A_49 = arith.constant 0 : i32
      %dma_wait3A_50 = tpu.memref_slice %arg5[%add3A_48, %dma_wait3A_49] : memref<50x128xi32, #tpu.memory_space<vmem>> -> memref<1x128xi32, #tpu.memory_space<vmem>>
      %dma_wait3A_51 = tpu.memref_squeeze %dma_wait3A_50 : memref<1x128xi32, #tpu.memory_space<vmem>> -> memref<128xi32, #tpu.memory_space<vmem>>
      %dma_wait3A_52 = arith.constant 0 : i32
      %dma_wait3A_53 = arith.constant 0 : i32
      %dma_wait3A_54 = tpu.memref_slice %arg2[%dma_wait3A_52, %dma_wait3A_53] : memref<1000000x64xf32, #tpu.memory_space<hbm>> -> memref<1000000x64xf32, #tpu.memory_space<hbm>>
      tpu.wait_indirect_dma semaphore(%arg9 : memref<!tpu.dma_semaphore, #tpu.memory_space<semaphore_mem>>) src(%dma_wait3A_54 : memref<1000000x64xf32, #tpu.memory_space<hbm>>) dst(%arg7 : memref<128x64xf32, #tpu.memory_space<vmem>>)
      %mul3A_55 = arith.constant 128 : i32
      %mul3A_56 = arith.muli %add3A_48, %mul3A_55 : i32
      %add3A_57 = arith.addi %mul3A_2, %mul3A_56 : i32
      %dma_start3A_58 = arith.constant 0 : i32
      %dma_start3A_59 = tpu.memref_slice %arg4[%add3A_57, %dma_start3A_58] : memref<204800x64xf32, #tpu.memory_space<hbm>> -> memref<128x64xf32, #tpu.memory_space<hbm>>
      %dma_start3A_60 = arith.constant 0 : i32
      %dma_start3A_61 = tpu.memref_slice %arg4[%add3A_57, %dma_start3A_60] : memref<204800x64xf32, #tpu.memory_space<hbm>> -> memref<128x64xf32, #tpu.memory_space<hbm>>
      tpu.enqueue_dma source(%arg7 : memref<128x64xf32, #tpu.memory_space<vmem>>) target(%dma_start3A_61 : memref<128x64xf32, #tpu.memory_space<hbm>>) target_semaphore(%arg11 : memref<!tpu.dma_semaphore, #tpu.memory_space<semaphore_mem>>)
      %ge3A_62 = arith.constant 1 : i32
      %ge3A_63 = arith.cmpi sge, %add3A_48, %ge3A_62 : i32
      %convert_element_type3A_64 = arith.extui %ge3A_63 : i1 to i32
      %cond3A_65 = arith.constant 0 : i32
      %cond3A_66 = arith.cmpi ne, %convert_element_type3A_64, %cond3A_65 : i32
      scf.if %cond3A_66 {
        %dma_wait3A_75 = arith.constant 0 : i32
        %dma_wait3A_76 = tpu.memref_slice %arg4[%mul3A_2, %dma_wait3A_75] : memref<204800x64xf32, #tpu.memory_space<hbm>> -> memref<128x64xf32, #tpu.memory_space<hbm>>
        %dma_wait3A_77 = arith.constant 0 : i32
        %dma_wait3A_78 = tpu.memref_slice %arg4[%mul3A_2, %dma_wait3A_77] : memref<204800x64xf32, #tpu.memory_space<hbm>> -> memref<128x64xf32, #tpu.memory_space<hbm>>
        tpu.wait_dma2 semaphore(%arg10 : memref<!tpu.dma_semaphore, #tpu.memory_space<semaphore_mem>>) src(%arg6 : memref<128x64xf32, #tpu.memory_space<vmem>>) dst(%dma_wait3A_78 : memref<128x64xf32, #tpu.memory_space<hbm>>)
      } else {
      }
      %add3A_67 = arith.constant 1 : i32
      %add3A_68 = arith.addi %add3A_48, %add3A_67 : i32
      %lt3A_69 = arith.constant 50 : i32
      %lt3A_70 = arith.cmpi slt, %add3A_68, %lt3A_69 : i32
      %convert_element_type3A_71 = arith.extui %lt3A_70 : i1 to i32
      %cond3A_72 = arith.constant 0 : i32
      %cond3A_73 = arith.cmpi ne, %convert_element_type3A_71, %cond3A_72 : i32
      scf.if %cond3A_73 {
        %add3A_75 = arith.constant 1 : i32
        %add3A_76 = arith.addi %add3A_48, %add3A_75 : i32
        %dma_start3A_77 = arith.constant 0 : i32
        %dma_start3A_78 = tpu.memref_slice %arg5[%add3A_76, %dma_start3A_77] : memref<50x128xi32, #tpu.memory_space<vmem>> -> memref<1x128xi32, #tpu.memory_space<vmem>>
        %dma_start3A_79 = tpu.memref_squeeze %dma_start3A_78 : memref<1x128xi32, #tpu.memory_space<vmem>> -> memref<128xi32, #tpu.memory_space<vmem>>
        %dma_start3A_80 = arith.constant 0 : i32
        %dma_start3A_81 = arith.constant 0 : i32
        %dma_start3A_82 = tpu.memref_slice %arg2[%dma_start3A_80, %dma_start3A_81] : memref<1000000x64xf32, #tpu.memory_space<hbm>> -> memref<1000000x64xf32, #tpu.memory_space<hbm>>
        tpu.enqueue_indirect_dma source(%dma_start3A_82 : memref<1000000x64xf32, #tpu.memory_space<hbm>>) target(%arg6 : memref<128x64xf32, #tpu.memory_space<vmem>>) offsets(%dma_start3A_79 : memref<128xi32, #tpu.memory_space<vmem>>) semaphore(%arg8 : memref<!tpu.dma_semaphore, #tpu.memory_space<semaphore_mem>>)
      } else {
      }
      %scan3A_74 = arith.constant 0 : i32
      scf.yield %scan3A_74 : i32
    }
    %scan3A_14 = arith.constant 25 : i32
    %dma_wait3A = arith.constant 0 : i32
    %dma_wait3A_15 = tpu.memref_slice %arg4[%mul3A_2, %dma_wait3A] : memref<204800x64xf32, #tpu.memory_space<hbm>> -> memref<128x64xf32, #tpu.memory_space<hbm>>
    %dma_wait3A_16 = arith.constant 0 : i32
    %dma_wait3A_17 = tpu.memref_slice %arg4[%mul3A_2, %dma_wait3A_16] : memref<204800x64xf32, #tpu.memory_space<hbm>> -> memref<128x64xf32, #tpu.memory_space<hbm>>
    tpu.wait_dma2 semaphore(%arg11 : memref<!tpu.dma_semaphore, #tpu.memory_space<semaphore_mem>>) src(%arg7 : memref<128x64xf32, #tpu.memory_space<vmem>>) dst(%dma_wait3A_17 : memref<128x64xf32, #tpu.memory_space<hbm>>)
    return
  }
}

module attributes {stable_mosaic.version = 14 : i64} {
  func.func @_tc_body(%arg0: i32, %arg1: memref<128x64x200xf32, #tpu.memory_space<vmem>>, %arg2: memref<128x200xi32, #tpu.memory_space<vmem>>, %arg3: memref<1x200xf32, #tpu.memory_space<vmem>>, %arg4: memref<3x200x200xf32, #tpu.memory_space<vmem>>, %arg5: memref<3x200x256xf32, #tpu.memory_space<vmem>>, %arg6: memref<200x256xf32, #tpu.memory_space<vmem>>, %arg7: memref<256x64xf32, #tpu.memory_space<vmem>>, %arg8: memref<128x64xf32, #tpu.memory_space<vmem>>) attributes {dimension_semantics = [#tpu.dimension_semantics<arbitrary>], iteration_bounds = array<i64: 8>, scalar_prefetch = 0 : i64, scratch_operands = 0 : i64, tpu.core_type = #tpu.core_type<tc>, window_params = [{transform_indices = @transform_0, window_bounds = array<i64: 128, 64, 200>}, {transform_indices = @transform_1, window_bounds = array<i64: 128, 200>}, {pipeline_mode = #tpu.pipeline_mode<synchronous>, transform_indices = @transform_2, window_bounds = array<i64: 1, 200>}, {pipeline_mode = #tpu.pipeline_mode<synchronous>, transform_indices = @transform_3, window_bounds = array<i64: 3, 200, 200>}, {pipeline_mode = #tpu.pipeline_mode<synchronous>, transform_indices = @transform_4, window_bounds = array<i64: 3, 200, 256>}, {pipeline_mode = #tpu.pipeline_mode<synchronous>, transform_indices = @transform_5, window_bounds = array<i64: 200, 256>}, {pipeline_mode = #tpu.pipeline_mode<synchronous>, transform_indices = @transform_6, window_bounds = array<i64: 256, 64>}, {transform_indices = @transform_7, window_bounds = array<i64: 128, 64>}]} {
    %get3A = arith.constant 0 : index
    %get3A_0 = arith.constant 0 : index
    %get3A_1 = arith.constant 0 : index
    %get3A_2 = vector.load %arg1[%get3A, %get3A_0, %get3A_1] : memref<128x64x200xf32, #tpu.memory_space<vmem>>, vector<128x64x200xf32>
    %get3A_3 = arith.constant 0 : index
    %get3A_4 = arith.constant 0 : index
    %get3A_5 = vector.load %arg3[%get3A_3, %get3A_4] : memref<1x200xf32, #tpu.memory_space<vmem>>, vector<1x200xf32>
    %squeeze3A = vector.shape_cast %get3A_5 : vector<1x200xf32> to vector<200xf32>
    %broadcast_in_dim3A = vector.shape_cast %squeeze3A : vector<200xf32> to vector<1x1x200xf32>
    %mul3A = vector.broadcast %broadcast_in_dim3A : vector<1x1x200xf32> to vector<128x64x200xf32>
    %mul3A_6 = arith.mulf %get3A_2, %mul3A : vector<128x64x200xf32>
    %mul3A_7 = arith.mulf %mul3A_6, %mul3A_6 : vector<128x64x200xf32>
    %reduce_sum3A = arith.constant dense<0.000000e+00> : vector<128x200xf32>
    %reduce_sum3A_8 = vector.multi_reduction <add>, %mul3A_7, %reduce_sum3A [1] : vector<128x64x200xf32> to vector<128x200xf32>
    %sqrt3A = math.sqrt %reduce_sum3A_8 : vector<128x200xf32>
    %max3A = arith.constant 9.99999996E-13 : f32
    %max3A_9 = vector.broadcast %max3A : f32 to vector<128x200xf32>
    %max3A_10 = arith.maximumf %sqrt3A, %max3A_9 : vector<128x200xf32>
    %div3A = arith.constant 1.000000e+00 : f32
    %div3A_11 = vector.broadcast %div3A : f32 to vector<128x200xf32>
    %div3A_12 = arith.divf %div3A_11, %max3A_10 : vector<128x200xf32>
    %broadcast_in_dim3A_13 = vector.shape_cast %div3A_12 : vector<128x200xf32> to vector<128x1x200xf32>
    %mul3A_14 = vector.broadcast %broadcast_in_dim3A_13 : vector<128x1x200xf32> to vector<128x64x200xf32>
    %mul3A_15 = arith.mulf %mul3A_6, %mul3A_14 : vector<128x64x200xf32>
    %reduce_sum3A_16 = arith.constant dense<0.000000e+00> : vector<128x64xf32>
    %reduce_sum3A_17 = vector.multi_reduction <add>, %mul3A_15, %reduce_sum3A_16 [2] : vector<128x64x200xf32> to vector<128x64xf32>
    %get3A_18 = arith.constant 0 : index
    %get3A_19 = arith.constant 0 : index
    %get3A_20 = vector.load %arg2[%get3A_18, %get3A_19] : memref<128x200xi32, #tpu.memory_space<vmem>>, vector<128x200xi32>
    %broadcast_in_dim3A_21 = arith.constant 0.000000e+00 : f32
    %broadcast_in_dim3A_22 = vector.broadcast %broadcast_in_dim3A_21 : f32 to vector<128x200xf32>
    %eq3A = arith.constant 0 : i32
    %eq3A_23 = vector.broadcast %eq3A : i32 to vector<128x200xi32>
    %eq3A_24 = arith.cmpi eq, %get3A_20, %eq3A_23 : vector<128x200xi32>
    %convert_element_type3A = arith.extui %eq3A_24 : vector<128x200xi1> to vector<128x200xi32>
    %convert_element_type3A_25 = arith.sitofp %convert_element_type3A : vector<128x200xi32> to vector<128x200xf32>
    %get3A_26 = arith.constant 0 : index
    %get3A_27 = arith.constant 0 : index
    %get3A_28 = arith.constant 0 : index
    %get3A_29 = vector.load %arg4[%get3A_26, %get3A_27, %get3A_28] : memref<3x200x200xf32, #tpu.memory_space<vmem>>, vector<1x200x200xf32>
    %get3A_30 = vector.shape_cast %get3A_29 : vector<1x200x200xf32> to vector<200x200xf32>
    %dot_general3A = arith.constant dense<0.000000e+00> : vector<128x200xf32>
    %dot_general3A_31 = tpu.matmul %convert_element_type3A_25, %get3A_30, %dot_general3A {dimension_numbers = #tpu.dot_dimension_numbers<[1], [0], [0], [1], [0, 0, 1, 1], [], []>, precision = #tpu.contract_precision<fp32>, transpose_lhs_hint = false} : vector<128x200xf32>, vector<200x200xf32>, vector<128x200xf32> -> vector<128x200xf32>
    %add3A = arith.addf %broadcast_in_dim3A_22, %dot_general3A_31 : vector<128x200xf32>
    %eq3A_32 = arith.constant 1 : i32
    %eq3A_33 = vector.broadcast %eq3A_32 : i32 to vector<128x200xi32>
    %eq3A_34 = arith.cmpi eq, %get3A_20, %eq3A_33 : vector<128x200xi32>
    %convert_element_type3A_35 = arith.extui %eq3A_34 : vector<128x200xi1> to vector<128x200xi32>
    %convert_element_type3A_36 = arith.sitofp %convert_element_type3A_35 : vector<128x200xi32> to vector<128x200xf32>
    %get3A_37 = arith.constant 1 : index
    %get3A_38 = arith.constant 0 : index
    %get3A_39 = arith.constant 0 : index
    %get3A_40 = vector.load %arg4[%get3A_37, %get3A_38, %get3A_39] : memref<3x200x200xf32, #tpu.memory_space<vmem>>, vector<1x200x200xf32>
    %get3A_41 = vector.shape_cast %get3A_40 : vector<1x200x200xf32> to vector<200x200xf32>
    %dot_general3A_42 = arith.constant dense<0.000000e+00> : vector<128x200xf32>
    %dot_general3A_43 = tpu.matmul %convert_element_type3A_36, %get3A_41, %dot_general3A_42 {dimension_numbers = #tpu.dot_dimension_numbers<[1], [0], [0], [1], [0, 0, 1, 1], [], []>, precision = #tpu.contract_precision<fp32>, transpose_lhs_hint = false} : vector<128x200xf32>, vector<200x200xf32>, vector<128x200xf32> -> vector<128x200xf32>
    %add3A_44 = arith.addf %add3A, %dot_general3A_43 : vector<128x200xf32>
    %eq3A_45 = arith.constant 2 : i32
    %eq3A_46 = vector.broadcast %eq3A_45 : i32 to vector<128x200xi32>
    %eq3A_47 = arith.cmpi eq, %get3A_20, %eq3A_46 : vector<128x200xi32>
    %convert_element_type3A_48 = arith.extui %eq3A_47 : vector<128x200xi1> to vector<128x200xi32>
    %convert_element_type3A_49 = arith.sitofp %convert_element_type3A_48 : vector<128x200xi32> to vector<128x200xf32>
    %get3A_50 = arith.constant 2 : index
    %get3A_51 = arith.constant 0 : index
    %get3A_52 = arith.constant 0 : index
    %get3A_53 = vector.load %arg4[%get3A_50, %get3A_51, %get3A_52] : memref<3x200x200xf32, #tpu.memory_space<vmem>>, vector<1x200x200xf32>
    %get3A_54 = vector.shape_cast %get3A_53 : vector<1x200x200xf32> to vector<200x200xf32>
    %dot_general3A_55 = arith.constant dense<0.000000e+00> : vector<128x200xf32>
    %dot_general3A_56 = tpu.matmul %convert_element_type3A_49, %get3A_54, %dot_general3A_55 {dimension_numbers = #tpu.dot_dimension_numbers<[1], [0], [0], [1], [0, 0, 1, 1], [], []>, precision = #tpu.contract_precision<fp32>, transpose_lhs_hint = false} : vector<128x200xf32>, vector<200x200xf32>, vector<128x200xf32> -> vector<128x200xf32>
    %add3A_57 = arith.addf %add3A_44, %dot_general3A_56 : vector<128x200xf32>
    %sqrt3A_58 = math.sqrt %add3A_57 : vector<128x200xf32>
    %max3A_59 = arith.constant 9.99999996E-13 : f32
    %max3A_60 = vector.broadcast %max3A_59 : f32 to vector<128x200xf32>
    %max3A_61 = arith.maximumf %sqrt3A_58, %max3A_60 : vector<128x200xf32>
    %div3A_62 = arith.constant 1.000000e+00 : f32
    %div3A_63 = vector.broadcast %div3A_62 : f32 to vector<128x200xf32>
    %div3A_64 = arith.divf %div3A_63, %max3A_61 : vector<128x200xf32>
    %broadcast_in_dim3A_65 = arith.constant 0.000000e+00 : f32
    %broadcast_in_dim3A_66 = vector.broadcast %broadcast_in_dim3A_65 : f32 to vector<128x256xf32>
    %get3A_67 = arith.constant 0 : index
    %get3A_68 = arith.constant 0 : index
    %get3A_69 = arith.constant 0 : index
    %get3A_70 = vector.load %arg5[%get3A_67, %get3A_68, %get3A_69] : memref<3x200x256xf32, #tpu.memory_space<vmem>>, vector<1x200x256xf32>
    %get3A_71 = vector.shape_cast %get3A_70 : vector<1x200x256xf32> to vector<200x256xf32>
    %dot_general3A_72 = arith.constant dense<0.000000e+00> : vector<128x256xf32>
    %dot_general3A_73 = tpu.matmul %div3A_64, %get3A_71, %dot_general3A_72 {dimension_numbers = #tpu.dot_dimension_numbers<[1], [0], [0], [1], [0, 0, 1, 1], [], []>, precision = #tpu.contract_precision<fp32>, transpose_lhs_hint = false} : vector<128x200xf32>, vector<200x256xf32>, vector<128x256xf32> -> vector<128x256xf32>
    %get3A_74 = arith.constant 0 : index
    %get3A_75 = arith.constant 0 : index
    %get3A_76 = vector.load %arg6[%get3A_74, %get3A_75] : memref<200x256xf32, #tpu.memory_space<vmem>>, vector<200x256xf32>
    %dot_general3A_77 = arith.constant dense<0.000000e+00> : vector<128x256xf32>
    %dot_general3A_78 = tpu.matmul %convert_element_type3A_25, %get3A_76, %dot_general3A_77 {dimension_numbers = #tpu.dot_dimension_numbers<[1], [0], [0], [1], [0, 0, 1, 1], [], []>, precision = #tpu.contract_precision<fp32>, transpose_lhs_hint = false} : vector<128x200xf32>, vector<200x256xf32>, vector<128x256xf32> -> vector<128x256xf32>
    %mul3A_79 = arith.mulf %dot_general3A_78, %dot_general3A_73 : vector<128x256xf32>
    %add3A_80 = arith.addf %broadcast_in_dim3A_66, %mul3A_79 : vector<128x256xf32>
    %get3A_81 = arith.constant 1 : index
    %get3A_82 = arith.constant 0 : index
    %get3A_83 = arith.constant 0 : index
    %get3A_84 = vector.load %arg5[%get3A_81, %get3A_82, %get3A_83] : memref<3x200x256xf32, #tpu.memory_space<vmem>>, vector<1x200x256xf32>
    %get3A_85 = vector.shape_cast %get3A_84 : vector<1x200x256xf32> to vector<200x256xf32>
    %dot_general3A_86 = arith.constant dense<0.000000e+00> : vector<128x256xf32>
    %dot_general3A_87 = tpu.matmul %div3A_64, %get3A_85, %dot_general3A_86 {dimension_numbers = #tpu.dot_dimension_numbers<[1], [0], [0], [1], [0, 0, 1, 1], [], []>, precision = #tpu.contract_precision<fp32>, transpose_lhs_hint = false} : vector<128x200xf32>, vector<200x256xf32>, vector<128x256xf32> -> vector<128x256xf32>
    %get3A_88 = arith.constant 0 : index
    %get3A_89 = arith.constant 0 : index
    %get3A_90 = vector.load %arg6[%get3A_88, %get3A_89] : memref<200x256xf32, #tpu.memory_space<vmem>>, vector<200x256xf32>
    %dot_general3A_91 = arith.constant dense<0.000000e+00> : vector<128x256xf32>
    %dot_general3A_92 = tpu.matmul %convert_element_type3A_36, %get3A_90, %dot_general3A_91 {dimension_numbers = #tpu.dot_dimension_numbers<[1], [0], [0], [1], [0, 0, 1, 1], [], []>, precision = #tpu.contract_precision<fp32>, transpose_lhs_hint = false} : vector<128x200xf32>, vector<200x256xf32>, vector<128x256xf32> -> vector<128x256xf32>
    %mul3A_93 = arith.mulf %dot_general3A_92, %dot_general3A_87 : vector<128x256xf32>
    %add3A_94 = arith.addf %add3A_80, %mul3A_93 : vector<128x256xf32>
    %get3A_95 = arith.constant 2 : index
    %get3A_96 = arith.constant 0 : index
    %get3A_97 = arith.constant 0 : index
    %get3A_98 = vector.load %arg5[%get3A_95, %get3A_96, %get3A_97] : memref<3x200x256xf32, #tpu.memory_space<vmem>>, vector<1x200x256xf32>
    %get3A_99 = vector.shape_cast %get3A_98 : vector<1x200x256xf32> to vector<200x256xf32>
    %dot_general3A_100 = arith.constant dense<0.000000e+00> : vector<128x256xf32>
    %dot_general3A_101 = tpu.matmul %div3A_64, %get3A_99, %dot_general3A_100 {dimension_numbers = #tpu.dot_dimension_numbers<[1], [0], [0], [1], [0, 0, 1, 1], [], []>, precision = #tpu.contract_precision<fp32>, transpose_lhs_hint = false} : vector<128x200xf32>, vector<200x256xf32>, vector<128x256xf32> -> vector<128x256xf32>
    %get3A_102 = arith.constant 0 : index
    %get3A_103 = arith.constant 0 : index
    %get3A_104 = vector.load %arg6[%get3A_102, %get3A_103] : memref<200x256xf32, #tpu.memory_space<vmem>>, vector<200x256xf32>
    %dot_general3A_105 = arith.constant dense<0.000000e+00> : vector<128x256xf32>
    %dot_general3A_106 = tpu.matmul %convert_element_type3A_49, %get3A_104, %dot_general3A_105 {dimension_numbers = #tpu.dot_dimension_numbers<[1], [0], [0], [1], [0, 0, 1, 1], [], []>, precision = #tpu.contract_precision<fp32>, transpose_lhs_hint = false} : vector<128x200xf32>, vector<200x256xf32>, vector<128x256xf32> -> vector<128x256xf32>
    %mul3A_107 = arith.mulf %dot_general3A_106, %dot_general3A_101 : vector<128x256xf32>
    %add3A_108 = arith.addf %add3A_94, %mul3A_107 : vector<128x256xf32>
    %get3A_109 = arith.constant 0 : index
    %get3A_110 = arith.constant 0 : index
    %get3A_111 = vector.load %arg7[%get3A_109, %get3A_110] : memref<256x64xf32, #tpu.memory_space<vmem>>, vector<256x64xf32>
    %dot_general3A_112 = arith.constant dense<0.000000e+00> : vector<128x64xf32>
    %dot_general3A_113 = tpu.matmul %add3A_108, %get3A_111, %dot_general3A_112 {dimension_numbers = #tpu.dot_dimension_numbers<[1], [0], [0], [1], [0, 0, 1, 1], [], []>, precision = #tpu.contract_precision<fp32>, transpose_lhs_hint = false} : vector<128x256xf32>, vector<256x64xf32>, vector<128x64xf32> -> vector<128x64xf32>
    %add3A_114 = arith.addf %reduce_sum3A_17, %dot_general3A_113 : vector<128x64xf32>
    %swap3A = arith.constant 0 : index
    %swap3A_115 = arith.constant 0 : index
    %swap3A_116 = vector.load %arg8[%swap3A, %swap3A_115] : memref<128x64xf32, #tpu.memory_space<vmem>>, vector<128x64xf32>
    tpu.vector_store %arg8[%swap3A, %swap3A_115], %add3A_114 {strides = array<i32>} : memref<128x64xf32, #tpu.memory_space<vmem>>, vector<128x64xf32>,
    return
  }
  func.func @transform_0(%arg0: i32) -> (i32, i32, i32) {
    %c0_i32 = arith.constant 0 : i32
    %c0_i32_0 = arith.constant 0 : i32
    %c0_i32_1 = arith.constant 0 : i32
    return %arg0, %c0_i32, %c0_i32_0 : i32, i32, i32
  }
  func.func @transform_1(%arg0: i32) -> (i32, i32) {
    %c0_i32 = arith.constant 0 : i32
    %c0_i32_0 = arith.constant 0 : i32
    return %arg0, %c0_i32 : i32, i32
  }
  func.func @transform_2(%arg0: i32) -> (i32, i32) {
    %c0_i32 = arith.constant 0 : i32
    %c0_i32_0 = arith.constant 0 : i32
    %c0_i32_1 = arith.constant 0 : i32
    return %c0_i32, %c0_i32_0 : i32, i32
  }
  func.func @transform_3(%arg0: i32) -> (i32, i32, i32) {
    %c0_i32 = arith.constant 0 : i32
    %c0_i32_0 = arith.constant 0 : i32
    %c0_i32_1 = arith.constant 0 : i32
    %c0_i32_2 = arith.constant 0 : i32
    return %c0_i32, %c0_i32_0, %c0_i32_1 : i32, i32, i32
  }
  func.func @transform_4(%arg0: i32) -> (i32, i32, i32) {
    %c0_i32 = arith.constant 0 : i32
    %c0_i32_0 = arith.constant 0 : i32
    %c0_i32_1 = arith.constant 0 : i32
    %c0_i32_2 = arith.constant 0 : i32
    return %c0_i32, %c0_i32_0, %c0_i32_1 : i32, i32, i32
  }
  func.func @transform_5(%arg0: i32) -> (i32, i32) {
    %c0_i32 = arith.constant 0 : i32
    %c0_i32_0 = arith.constant 0 : i32
    %c0_i32_1 = arith.constant 0 : i32
    return %c0_i32, %c0_i32_0 : i32, i32
  }
  func.func @transform_6(%arg0: i32) -> (i32, i32) {
    %c0_i32 = arith.constant 0 : i32
    %c0_i32_0 = arith.constant 0 : i32
    %c0_i32_1 = arith.constant 0 : i32
    return %c0_i32, %c0_i32_0 : i32, i32
  }
  func.func @transform_7(%arg0: i32) -> (i32, i32) {
    %c0_i32 = arith.constant 0 : i32
    %c0_i32_0 = arith.constant 0 : i32
    return %arg0, %c0_i32 : i32, i32
  }
}

</mosaic_0001>

<sc_bundles>
// kernel: kernel.10.cloned.1.call-start
scs
__scs_entry_jumppad:
0x0: {  	(pc) =	sbr.rel $0x88, $3  }
0x1: {  	(tag) =	ssettag $0x0;
	lr =	simm.s32 $0x1  }
0x2: {  	[smem:$0x3F9C] =	sst lr;
	_ =	strace $0xD0000000  }
0x3: {  	_ = 	snop  }
0x4: {  	_ = 	snop  }
0x5: {  	_ = 	snop  }
0x6: {  	_ = 	snop  }
0x7: {  	_ = 	snop  }
__scs_overlays_trampoline_lowered:
0x8: {  	[smem:$0x3FAB] =	sst s0  }
0x9: {  	[smem:$0x3FAC] =	sst s1  }
0xa: {  	[smem:$0x3FAD] =	sst s2  }
0xb: {  	[smem:$0x3FAE] =	sst s3  }
0xc: {  	[smem:$0x3FAF] =	sst s4  }
0xd: {  	[smem:$0x3FB0] =	sst s5  }
0xe: {  	[smem:$0x3FB1] =	sst s6  }
0xf: {  	[smem:$0x3FB2] =	sst s7  }
0x10: {  	[smem:$0x3FB3] =	sst s8  }
0x11: {  	[smem:$0x3FB4] =	sst s9;
	s0 =	simm.s32 @!p0 $0x0  }
0x12: {  	s1 =	sld [smem:$0x3F9A];
	s0 =	simm.s32 @p0 $0x1  }
0x13: {  	[smem:$0x3FB5] =	sst s0;
	s0 =	simm.s32 @!p1 $0x0  }
0x14: {  	s2 =	sld [smem:$0x3F99];
	s0 =	simm.s32 @p1 $0x1  }
0x15: {  	[smem:$0x3FB6] =	sst s0;
	s0 =	simm.s32 @!p2 $0x0  }
0x16: {  	s3 =	sld [smem:$0x3FDB];
	s0 =	simm.s32 @p2 $0x1  }
0x17: {  	s4 =	simm.s32 $0x1BF5;
	[smem:$0x3FB8] =	sst s0  }
0x18: {  	s0 =	sld [smem:$0x3F9B];
	_ =	swait.ge [sflag:s4], $0x0  }
0x19: {  	s7 =	sld [smem:$0x3F9C]  }
0x1a: {  	s8 =	sadd.s32 $0xFFFFE003, lr  }
0x1b: {  	s9 =	sadd.s32 $0xFFFFFEF7, lr;
	s5 =	simm.s32 $0xFFFFFFFF;
	p2 =	slt.u32 s8, $0xFFFFF086  }
0x1c: {  	p1 =	slt.u32 s9, $0xF7A;
	s5 =	simm.s32 @!p2 $0x0  }
0x1d: {  	s5 =	simm.s32 @p1 $0x1;
	p0 =	seq.s32 s7, s2  }
0x1e: {  	s7 =	smul.u32 @!p0 $0xF7A, s2;
	p2 =	seq.s32 @!p0 s5, $0x0  }
0x1f: {  	s9 =	smul.u32 $0xF7A, s1;
	s8 =	simm.s32 @!p0 $0x1BF5;
	p2 =	por !p2, p0  }
0x20: {  	[sflag:s8] =	ssyncset.s32 @!p0 $0xFFFFF086;
	s6 =	sadd.s32 @!p0 s3, s7;
	s7 =	simm.s32 @!p0 $0x108  }
0x21: {  	s3 =	sadd.s32 s3, s9;
	s6 =	sadd.s32 @!p0 $0x88, s6;
	s7 =	simm.s32 @p2 $0x1082  }
0x22: {  	[simem:s7], [sflag:s8] =	dma.local @!p0 [hbm:s6], $0xF7A  }
0x23: {  	s9 =	sor.u32 $0xD0000000, s2;
	s6 =	simm.s32 $0x108;
	_ =	swait.ge @!p0 [sflag:s8], $0x0  }
0x24: {  	s3 =	sadd.s32 $0x88, s3;
	s6 =	simm.s32 @!p1 $0x1082;
	[sflag:s4] =	ssyncset.s32 $0xFFFFF086  }
0x25: {  	[simem:s6], [sflag:s4] =	dma.local [hbm:s3], $0xF7A  }
0x26: {  	[smem:$0x3F9C] =	sst s1;
	(tag) =	ssettag s2;
	_ =	strace s9  }
0x27: {  	s1 =	sld [smem:$0x3FAC]  }
0x28: {  	s2 =	sld [smem:$0x3FAD]  }
0x29: {  	s4 =	sld [smem:$0x3FAF]  }
0x2a: {  	p0 =	seq.s32 s5, $0x0;
	s5 =	sld [smem:$0x3FB0]  }
0x2b: {  	s6 =	sld [smem:$0x3FB1]  }
0x2c: {  	s7 =	sld [smem:$0x3FB2]  }
0x2d: {  	s3 =	simm.s32 $0x108;
	s8 =	sld [smem:$0x3FB3]  }
0x2e: {  	s3 =	simm.s32 @!p0 $0x1082;
	s9 =	sld [smem:$0x3FB4]  }
0x2f: {  	lr =	sadd.s32 s0, s3;
	s0 =	sld [smem:$0x3FAB]  }
0x30: {  	s3 =	sld [smem:$0x3FAE]  }
0x31: {  	[smem:$0x3FB7] =	sst s10  }
0x32: {  	s10 =	sld [smem:$0x3FB5];
	_ =	sdelay $0x3  }
0x33: {  	p0 =	seq.s32 s10, $0x1;
	s10 =	sld [smem:$0x3FB7];
	_ =	sdelay $0x3  }
0x34: {  	[smem:$0x3FB7] =	sst s10  }
0x35: {  	s10 =	sld [smem:$0x3FB6];
	_ =	sdelay $0x3  }
0x36: {  	p1 =	seq.s32 s10, $0x1;
	s10 =	sld [smem:$0x3FB7];
	_ =	sdelay $0x3  }
0x37: {  	[smem:$0x3FB7] =	sst s10  }
0x38: {  	s10 =	sld [smem:$0x3FB8]  }
0x39: {  	_ = 	snop;
	(pc) =	sbr.ind lr, $3  }
0x3a: {  	_ = 	snop  }
0x3b: {  	_ = 	snop  }
0x3c: {  	p2 =	seq.s32 s10, $0x1;
	s10 =	sld [smem:$0x3FB7]  }
0x3d: {  	_ =	shalt  }
0x3e: {  	_ =	shalt  }
0x3f: {  	_ =	shalt  }
0x40: {  	_ =	shalt  }
0x41: {  	_ =	shalt  }
0x42: {  	_ =	shalt  }
0x43: {  	_ =	shalt  }
0x44: {  	_ =	shalt  }
0x45: {  	_ =	shalt  }
0x46: {  	_ =	shalt  }
0x47: {  	_ =	shalt  }
0x48: {  	_ =	shalt  }
0x49: {  	_ =	shalt  }
0x4a: {  	_ =	shalt  }
0x4b: {  	_ =	shalt  }
0x4c: {  	_ =	shalt  }
0x4d: {  	_ =	shalt  }
0x4e: {  	_ =	shalt  }
0x4f: {  	_ =	shalt  }
0x50: {  	_ =	shalt  }
0x51: {  	_ =	shalt  }
0x52: {  	_ =	shalt  }
0x53: {  	_ =	shalt  }
0x54: {  	_ =	shalt  }
0x55: {  	_ =	shalt  }
0x56: {  	_ =	shalt  }
0x57: {  	_ =	shalt  }
0x58: {  	_ =	shalt  }
0x59: {  	_ =	shalt  }
0x5a: {  	_ =	shalt  }
0x5b: {  	_ =	shalt  }
0x5c: {  	_ =	shalt  }
0x5d: {  	_ =	shalt  }
0x5e: {  	_ =	shalt  }
0x5f: {  	_ =	shalt  }
0x60: {  	_ =	shalt  }
0x61: {  	_ =	shalt  }
0x62: {  	_ =	shalt  }
0x63: {  	_ =	shalt  }
0x64: {  	_ =	shalt  }
0x65: {  	_ =	shalt  }
0x66: {  	_ =	shalt  }
0x67: {  	_ =	shalt  }
0x68: {  	_ =	shalt  }
0x69: {  	_ =	shalt  }
0x6a: {  	_ =	shalt  }
0x6b: {  	_ =	shalt  }
0x6c: {  	_ =	shalt  }
0x6d: {  	_ =	shalt  }
0x6e: {  	_ =	shalt  }
0x6f: {  	_ =	shalt  }
0x70: {  	_ =	shalt  }
0x71: {  	_ =	shalt  }
0x72: {  	_ =	shalt  }
0x73: {  	_ =	shalt  }
0x74: {  	_ =	shalt  }
0x75: {  	_ =	shalt  }
0x76: {  	_ =	shalt  }
0x77: {  	_ =	shalt  }
0x78: {  	_ =	shalt  }
0x79: {  	_ =	shalt  }
0x7a: {  	_ =	shalt  }
0x7b: {  	_ =	shalt  }
0x7c: {  	_ =	shalt  }
0x7d: {  	_ =	shalt  }
0x7e: {  	_ =	shalt  }
0x7f: {  	_ =	shalt  }
0x80: {  	_ =	shalt  }
0x81: {  	_ =	shalt  }
0x82: {  	_ =	shalt  }
0x83: {  	_ =	shalt  }
0x84: {  	_ =	shalt  }
0x85: {  	_ =	shalt  }
0x86: {  	_ =	shalt  }
0x87: {  	_ =	shalt  }
.Lfunc_end0:
.L_simem_size_0:
called_computation_lowered:
.L_overlay_start_0:
0x88: {  	s2 =	sld [smem:$0x3FD9]  }
0x89: {  	s3 =	sld [smem:$0x3FFE];
	_ =	sdelay $0x1  }
0x8a: {  	s1 =	srdreg.scid  }
0x8b: {  	s0 =	sand.u32 $0x1, s1  }
0x8c: {  	s16 =	sshll.u32 s0, $0xA;
	s2 =	sadd.s32 s3, s2  }
0x8d: {  	s2 =	sadd.s32 s2, s16  }
0x8e: {  	[smem:$0x3FC3] =	sst s2  }
0x8f: {  	_ = 	snop  }
0x90: {  	(tm) =	ssettm $0x1  }
0x91: {  	s17 =	sld [smem:$0x3FFB];
	_ =	sdelay $0x3  }
0x92: {  	_ =	strace s17  }
0x93: {  	s2 =	sld [smem:$0x3FFC];
	_ =	sdelay $0x3  }
0x94: {  	_ =	strace s2  }
0x95: {  	s2 =	sld [smem:$0x3FFD];
	_ =	sdelay $0x3  }
0x96: {  	_ =	strace s2  }
0x97: {  	_ =	strace $0x8FFFFFFF  }
0x98: {  	s18 =	sld [smem:$0x3FDB];
	_ =	sdelay $0x1  }
0x99: {  	s19 =	simm.s32 $_scs_section_size  }
0x9a: {  	s4 =	simm.s32 $_size__tile_overlayer_lowered;
	s5 =	simm.s32 $_tile_overlayer_lowered  }
0x9b: {  	s22 =	simm.s32 $0x1BFF;
	s21 =	sshll.u32 s5, $0x1;
	s2 =	sadd.s32 s19, s18  }
0x9c: {  	s6 =	simm.s32 $0x0;
	s20 =	sshll.u32 s4, $0x1;
	s4 =	sadd.s32 s21, s2  }
0x9d: {  	[timem:s6], [sflag:s22] =	dma.local [hbm:s4], s20  }
0x9e: {  	_ =	swait.ge [sflag:s22], s20  }
0x9f: {  	s3 =	ssub.s32 $0x0, s20;
	[sflag:s22] =	ssyncset.done $0x0  }
0xa0: {  	[sflag:s22] =	ssyncadd.s32 s3;
	_ =	sdelay $0x1  }
0xa1: {  	s23 =	simm.s32 $0x1B8B  }
0xa2: {  	_ =	swait.ge [sflag:s23], $0x1  }
0xa3: {  	[sflag:s23] =	ssyncset.done $0x0  }
0xa4: {  	s25 =	simm.s32 $0x1B8E;
	s24 =	sld [smem:$0x3FFE];
	[sflag:s23] =	ssyncadd.s32 $0xFFFFFFFF  }
0xa5: {  	s26 =	simm.s32 $execute0_lowered;
	[smem:$0x3FD2] =	sst s25  }
0xa6: {  	s4 =	sshll.u32 s26, $0x1;
	_ =	strace $0x80000046;
	[dreg:$0x1] =	wrdreg $0xFFFFFFFF  }
0xa7: {  	s28 =	simm.s32 $_size_execute0_lowered;
	s2 =	sadd.s32 s2, s4;
	[dreg:$0x0] =	wrdreg $0x0  }
0xa8: {  	s4 =	sshll.u32 s28, $0x1;
	[dreg:$0x2] =	wrdreg s2  }
0xa9: {  	[dreg:$0x3] =	wrdreg s4  }
0xaa: {  	[dreg:$0x4] =	wrdreg $0xC0  }
0xab: {  	_ =	task [dreg:s6], $0x5FFFF  }
0xac: {  	[dreg:$0x1] =	wrdreg $0xFFFFFFFF  }
0xad: {  	[dreg:$0x0] =	wrdreg $0x60  }
0xae: {  	[dreg:$0x2] =	wrdreg s24  }
0xaf: {  	[dreg:$0x3] =	wrdreg $0x9  }
0xb0: {  	_ =	task.clear_ibuf [dreg:s6], $0x4FFFF;
	_ =	strace $0x90000046  }
0xb1: {  	s29 =	simm.s32 $0x9;
	_ =	strace $0x80000048  }
0xb2: {  	_ =	swait.ge [sflag:s29], $0x1  }
0xb3: {  	[sflag:s29] =	ssyncadd.s32 $0xFFFFFFFF  }
0xb4: {  	_ =	strace $0x90000048  }
0xb5: {  	_ =	sfence  }
0xb6: {  	s30 =	sld [smem:$0x0];
	_ =	sdelay $0x2  }
0xb7: {  	s31 =	sshll.u32 s1, $0xD;
	s1 =	sshrl.u32 s1, $0x2  }
0xb8: {  	s3 =	sand.u32 $0x4000, s31;
	s1 =	sadd.s32 s1, s30  }
0xb9: {  	s0 =	sor.u32 s3, s0;
	s1 =	sshll.u32 s1, $0x11  }
0xba: {  	s0 =	sor.u32 s1, s0  }
0xbb: {  	s0 =	sadd.s32 $0x8F2B, s0  }
0xbc: {  	[sflag:s0] =	ssyncadd.remote.s32 $0x1  }
0xbd: {  	_ =	sfence.sel $0xFFFF  }
0xbe: {  	[dreg:$0x0] =	wrdreg $0xFFFFFFFF;
	(pc) =	sbr.abs _section_cstart, $3  }
0xbf: {  	[dreg:$0x1] =	wrdreg $0xFFFFFFFF  }
0xc0: {  	_ =	task.clear_ibuf [dreg:s6], $0x2FFFF;
	_ =	strace $0x9FFFFFFF  }
0xc1: {  	(tm) =	ssettm $0x7FFFFFFF  }
tec
execute0_lowered:
.L_overlay_start_1:
0x0: {  	(tag) =	ssettag $0x1  }
0x1: {  	s1 =	srdreg.scid;
	s0 =	stileid.u32  }
0x2: {  	s5 =	rddreg [dreg:$0x0];
	s2 =	simm.s32 $0x0;
	s12 =	simm.s32 $0x80  }
0x3: {  	s13 =	simm.s32 $0x1900;
	s14 =	simm.s32 $0x1;
	s15 =	simm.s32 $0x3900  }
0x4: {  	s16 =	simm.s32 $0x2;
	s17 =	simm.s32 $0x3;
	s18 =	simm.s32 $0x100  }
0x5: {  	s19 =	simm.s32 $0x4;
	s20 =	simm.s32 $0x0;
	s4 =	sand.u32 $0x1, s1  }
0x6: {  	s30 =	sshll.u32 s0, $0x1;
	s1 =	rddreg [dreg:$0x1];
	s8 =	smul.u32 $0xC8000, s0  }
0x7: {  	[smem:$0x7FF] =	sst s2;
	s3 =	sor.u32 s4, s30;
	s10 =	smul.u32 $0x64000, s4  }
0x8: {  	_ =	strace $0x80000047;
	s9 =	ssub.s32 $0x2, s4;
	s6 =	smul.u32 $0x320, s3  }
0x9: {  	s4 =	sadd.s32 $0x16800, s5;
	s7 =	smul.u32 $0x64000, s3;
	s31 =	sshrl.u32 s9, $0x1  }
.Ltmp0:
0xa: {  	s3 =	sadd.s32 $0xF46000, s5;
	s9 =	ssub.s32 s9, s31;
	(pc) =	sbr.rel .LBB2_1-.Ltmp0, $4  }
0xb: {  	s10 =	sadd.s32 s10, s8;
	s6 =	sadd.s32 s6, s5;
	s7 =	sshrl.u32 s7, $0x3  }
0xc: {  	s11 =	sadd.s32 $0x6000, s10;
	s5 =	sadd.s32 $0x10400, s6;
	s6 =	sadd.s32 s4, s7  }
0xd: {  	s7 =	smax.u32 s9, $0x1;
	s11 =	sshrl.u32 s11, $0x3;
	s9 =	sadd.s32 $0x4000, s10  }
0xe: {  	s8 =	sadd.s32 $0x400, s6;
	s10 =	sadd.s32 s11, s4;
	s11 =	simm.s32 $0x5  }
.LBB2_4:
0xf: {  	s20 =	sadd.s32 $0x1, s20  }
0x10: {  	p0 =	sne.s32 s20, s7  }
.Ltmp1:
0x11: {  	_ = 	snop;
	(pc) =	sbr.rel @!p0 .LBB2_5-.Ltmp1, $4  }
0x12: {  	_ = 	snop  }
0x13: {  	_ =	swait.ge [sflag:s19], $0x2000  }
0x14: {  	[sflag:s19] =	ssyncset.done $0x0  }
0x15: {  	[sflag:s19] =	ssyncadd.s32 $0xFFFFE000  }
.LBB2_1:
0x16: {  	[tilespmem:s2], [sflag:$0x5] =	stream.linear.gather [hbm4b:s5+s2], $0x1900, $0x38;
	[tilespmem:$0x5900] =	vst v63  }
0x17: {  	_ =	swait.ge [sflag:s11], $0x1900  }
0x18: {  	[sflag:s11] =	ssyncset.done $0x0  }
0x19: {  	[sflag:s11] =	ssyncadd.s32 $0xFFFFE700  }
0x1a: {  	[tilespmem:s13], [sflag:$0x1] =	stream.indirect.gather [hbm4b:s3+s12], $0x40, s2, s12, $0xb8;
	[tilespmem:$0x5900] =	vst v63  }
0x1b: {  	_ =	swait.ge [sflag:s14], $0x2000  }
0x1c: {  	[sflag:s14] =	ssyncset.done $0x0  }
0x1d: {  	[sflag:s14] =	ssyncadd.s32 $0xFFFFE000  }
0x1e: {  	[hbm4b:s6+s2] =	stream.linear.scatter [tilespmem:s13], [sflag:$0x3], $0x2000, $0x38;
	[tilespmem:$0x5900] =	vst v63  }
0x1f: {  	_ = 	snop  }
0x20: {  	[tilespmem:s15], [sflag:$0x2] =	stream.indirect.gather [hbm4b:s3+s12], $0x40, s12, s12, $0xb8;
	[tilespmem:$0x5900] =	vst v63  }
0x21: {  	_ =	swait.ge [sflag:s16], $0x2000  }
0x22: {  	[sflag:s16] =	ssyncset.done $0x0  }
0x23: {  	[sflag:s16] =	ssyncadd.s32 $0xFFFFE000  }
0x24: {  	[hbm4b:s8+s2] =	stream.linear.scatter [tilespmem:s15], [sflag:$0x4], $0x2000, $0x38;
	[tilespmem:$0x5900] =	vst v63  }
0x25: {  	_ =	swait.ge [sflag:s17], $0x2000  }
0x26: {  	s21 =	simm.s32 $0x200;
	[sflag:s17] =	ssyncset.done $0x0  }
0x27: {  	s22 =	simm.s32 $0x0;
	s23 =	smov.u32 s9;
	[sflag:s17] =	ssyncadd.s32 $0xFFFFE000  }
0x28: {  	[tilespmem:s13], [sflag:$0x1] =	stream.indirect.gather [hbm4b:s3+s12], $0x40, s18, s12, $0xb8;
	[tilespmem:$0x5900] =	vst v63  }
.LBB2_2:
0x29: {  	_ =	swait.ge [sflag:s14], $0x2000  }
0x2a: {  	s24 =	sshrl.u32 s23, $0x3;
	[sflag:s14] =	ssyncset.done $0x0  }
0x2b: {  	s24 =	sadd.s32 s4, s24;
	[sflag:s14] =	ssyncadd.s32 $0xFFFFE000  }
0x2c: {  	[hbm4b:s24+s2] =	stream.linear.scatter [tilespmem:s13], [sflag:$0x3], $0x2000, $0x38;
	[tilespmem:$0x5900] =	vst v63  }
0x2d: {  	_ =	swait.ge [sflag:s19], $0x2000  }
0x2e: {  	[sflag:s19] =	ssyncset.done $0x0  }
0x2f: {  	s30 =	sadd.s32 $0xFFFFFF80, s21;
	[sflag:s19] =	ssyncadd.s32 $0xFFFFE000  }
0x30: {  	[tilespmem:s15], [sflag:$0x2] =	stream.indirect.gather [hbm4b:s3+s12], $0x40, s30, s12, $0xb8;
	[tilespmem:$0x5900] =	vst v63  }
0x31: {  	_ =	swait.ge [sflag:s16], $0x2000  }
0x32: {  	p0 =	seq.s32 s22, $0xB800;
	[sflag:s16] =	ssyncset.done $0x0  }
.Ltmp2:
0x33: {  	s31 =	sadd.s32 s22, s10;
	[sflag:s16] =	ssyncadd.s32 $0xFFFFE000;
	(pc) =	sbr.rel @p0 .LBB2_4-.Ltmp2, $4  }
0x34: {  	[hbm4b:s31+s2] =	stream.linear.scatter [tilespmem:s15], [sflag:$0x4], $0x2000, $0x38;
	[tilespmem:$0x5900] =	vst v63  }
0x35: {  	_ =	swait.ge [sflag:s17], $0x2000  }
0x36: {  	[sflag:s17] =	ssyncset.done $0x0  }
0x37: {  	[sflag:s17] =	ssyncadd.s32 $0xFFFFE000  }
.Ltmp3:
0x38: {  	(pc) =	sbr.rel .LBB2_2-.Ltmp3, $3  }
0x39: {  	_ =	sdelay $0x1  }
0x3a: {  	[tilespmem:s13], [sflag:$0x1] =	stream.indirect.gather [hbm4b:s3+s12], $0x40, s21, s12, $0xb8;
	[tilespmem:$0x5900] =	vst v63  }
0x3b: {  	s21 =	sadd.s32 $0x100, s21;
	s23 =	sadd.s32 $0x4000, s23;
	s22 =	sadd.s32 $0x800, s22  }
.LBB2_5:
0x3c: {  	_ =	sfence.sel $0x180000  }
0x3d: {  	[bflag:$0x0] =	sbarrier.arrive $0xFFFF  }
0x3e: {  	p0 =	sne.s32 s0, $0x0;
	_ =	strace $0x90000047  }
0x3f: {  	s0 =	sadd.s32 @!p0 $0x100000, s1;
	[bflag:$0x2] =	sbarrier.arrive $0xFFFF  }
0x40: {  	[sflag:s0] =	ssyncadd.tile.s32 @!p0 $0x1;
	_ =	shalt  }
.Lfunc_end2:
_tile_overlayer_lowered:
.L_overlay_start_2:
0x41: {  	(tag) =	ssettag $0x2  }
0x42: {  	s0 =	rddreg [dreg:$0x0];
	s2 =	stileid.u32  }
0x43: {  	s1 =	rddreg [dreg:$0x1];
	p0 =	sne.s32 s2, $0x0  }
0x44: {  	s3 =	rddreg [dreg:$0x2];
	[bflag:$0x3] =	sbarrier.arrive $0xFFFF;
	s2 =	simm.s32 @!p0 $0x1C05  }
0x45: {  	[timem:s3], [sflag:s2] =	dma.local @!p0 [hbm:s0], s1  }
0x46: {  	s0 =	simm.s32 @!p0 $0x5  }
0x47: {  	_ =	swait.ge @!p0 [sflag:s0], s1  }
0x48: {  	s1 =	ssub.s32 @!p0 $0x0, s1;
	[sflag:s0] =	ssyncset.done @!p0 $0x0  }
0x49: {  	[sflag:s0] =	ssyncadd.s32 @!p0 s1  }
0x4a: {  	[bflag:$0x3] =	sbarrier.arrive $0xFFFF  }
0x4b: {  	_ =	shalt  }

// kernel: kernel.13.cloned.1.call-start
scs
__scs_entry_jumppad:
0x0: {  	(pc) =	sbr.rel $0x88, $3  }
0x1: {  	(tag) =	ssettag $0x0;
	lr =	simm.s32 $0x1  }
0x2: {  	[smem:$0x3F9C] =	sst lr;
	_ =	strace $0xD0000000  }
0x3: {  	_ = 	snop  }
0x4: {  	_ = 	snop  }
0x5: {  	_ = 	snop  }
0x6: {  	_ = 	snop  }
0x7: {  	_ = 	snop  }
__scs_overlays_trampoline_lowered:
0x8: {  	[smem:$0x3FAB] =	sst s0  }
0x9: {  	[smem:$0x3FAC] =	sst s1  }
0xa: {  	[smem:$0x3FAD] =	sst s2  }
0xb: {  	[smem:$0x3FAE] =	sst s3  }
0xc: {  	[smem:$0x3FAF] =	sst s4  }
0xd: {  	[smem:$0x3FB0] =	sst s5  }
0xe: {  	[smem:$0x3FB1] =	sst s6  }
0xf: {  	[smem:$0x3FB2] =	sst s7  }
0x10: {  	[smem:$0x3FB3] =	sst s8  }
0x11: {  	[smem:$0x3FB4] =	sst s9;
	s0 =	simm.s32 @!p0 $0x0  }
0x12: {  	s1 =	sld [smem:$0x3F9A];
	s0 =	simm.s32 @p0 $0x1  }
0x13: {  	[smem:$0x3FB5] =	sst s0;
	s0 =	simm.s32 @!p1 $0x0  }
0x14: {  	s2 =	sld [smem:$0x3F99];
	s0 =	simm.s32 @p1 $0x1  }
0x15: {  	[smem:$0x3FB6] =	sst s0;
	s0 =	simm.s32 @!p2 $0x0  }
0x16: {  	s3 =	sld [smem:$0x3FDB];
	s0 =	simm.s32 @p2 $0x1  }
0x17: {  	s4 =	simm.s32 $0x1BF5;
	[smem:$0x3FB8] =	sst s0  }
0x18: {  	s0 =	sld [smem:$0x3F9B];
	_ =	swait.ge [sflag:s4], $0x0  }
0x19: {  	s7 =	sld [smem:$0x3F9C]  }
0x1a: {  	s8 =	sadd.s32 $0xFFFFE003, lr  }
0x1b: {  	s9 =	sadd.s32 $0xFFFFFEF7, lr;
	s5 =	simm.s32 $0xFFFFFFFF;
	p2 =	slt.u32 s8, $0xFFFFF086  }
0x1c: {  	p1 =	slt.u32 s9, $0xF7A;
	s5 =	simm.s32 @!p2 $0x0  }
0x1d: {  	s5 =	simm.s32 @p1 $0x1;
	p0 =	seq.s32 s7, s2  }
0x1e: {  	s7 =	smul.u32 @!p0 $0xF7A, s2;
	p2 =	seq.s32 @!p0 s5, $0x0  }
0x1f: {  	s9 =	smul.u32 $0xF7A, s1;
	s8 =	simm.s32 @!p0 $0x1BF5;
	p2 =	por !p2, p0  }
0x20: {  	[sflag:s8] =	ssyncset.s32 @!p0 $0xFFFFF086;
	s6 =	sadd.s32 @!p0 s3, s7;
	s7 =	simm.s32 @!p0 $0x108  }
0x21: {  	s3 =	sadd.s32 s3, s9;
	s6 =	sadd.s32 @!p0 $0x88, s6;
	s7 =	simm.s32 @p2 $0x1082  }
0x22: {  	[simem:s7], [sflag:s8] =	dma.local @!p0 [hbm:s6], $0xF7A  }
0x23: {  	s9 =	sor.u32 $0xD0000000, s2;
	s6 =	simm.s32 $0x108;
	_ =	swait.ge @!p0 [sflag:s8], $0x0  }
0x24: {  	s3 =	sadd.s32 $0x88, s3;
	s6 =	simm.s32 @!p1 $0x1082;
	[sflag:s4] =	ssyncset.s32 $0xFFFFF086  }
0x25: {  	[simem:s6], [sflag:s4] =	dma.local [hbm:s3], $0xF7A  }
0x26: {  	[smem:$0x3F9C] =	sst s1;
	(tag) =	ssettag s2;
	_ =	strace s9  }
0x27: {  	s1 =	sld [smem:$0x3FAC]  }
0x28: {  	s2 =	sld [smem:$0x3FAD]  }
0x29: {  	s4 =	sld [smem:$0x3FAF]  }
0x2a: {  	p0 =	seq.s32 s5, $0x0;
	s5 =	sld [smem:$0x3FB0]  }
0x2b: {  	s6 =	sld [smem:$0x3FB1]  }
0x2c: {  	s7 =	sld [smem:$0x3FB2]  }
0x2d: {  	s3 =	simm.s32 $0x108;
	s8 =	sld [smem:$0x3FB3]  }
0x2e: {  	s3 =	simm.s32 @!p0 $0x1082;
	s9 =	sld [smem:$0x3FB4]  }
0x2f: {  	lr =	sadd.s32 s0, s3;
	s0 =	sld [smem:$0x3FAB]  }
0x30: {  	s3 =	sld [smem:$0x3FAE]  }
0x31: {  	[smem:$0x3FB7] =	sst s10  }
0x32: {  	s10 =	sld [smem:$0x3FB5];
	_ =	sdelay $0x3  }
0x33: {  	p0 =	seq.s32 s10, $0x1;
	s10 =	sld [smem:$0x3FB7];
	_ =	sdelay $0x3  }
0x34: {  	[smem:$0x3FB7] =	sst s10  }
0x35: {  	s10 =	sld [smem:$0x3FB6];
	_ =	sdelay $0x3  }
0x36: {  	p1 =	seq.s32 s10, $0x1;
	s10 =	sld [smem:$0x3FB7];
	_ =	sdelay $0x3  }
0x37: {  	[smem:$0x3FB7] =	sst s10  }
0x38: {  	s10 =	sld [smem:$0x3FB8]  }
0x39: {  	_ = 	snop;
	(pc) =	sbr.ind lr, $3  }
0x3a: {  	_ = 	snop  }
0x3b: {  	_ = 	snop  }
0x3c: {  	p2 =	seq.s32 s10, $0x1;
	s10 =	sld [smem:$0x3FB7]  }
0x3d: {  	_ =	shalt  }
0x3e: {  	_ =	shalt  }
0x3f: {  	_ =	shalt  }
0x40: {  	_ =	shalt  }
0x41: {  	_ =	shalt  }
0x42: {  	_ =	shalt  }
0x43: {  	_ =	shalt  }
0x44: {  	_ =	shalt  }
0x45: {  	_ =	shalt  }
0x46: {  	_ =	shalt  }
0x47: {  	_ =	shalt  }
0x48: {  	_ =	shalt  }
0x49: {  	_ =	shalt  }
0x4a: {  	_ =	shalt  }
0x4b: {  	_ =	shalt  }
0x4c: {  	_ =	shalt  }
0x4d: {  	_ =	shalt  }
0x4e: {  	_ =	shalt  }
0x4f: {  	_ =	shalt  }
0x50: {  	_ =	shalt  }
0x51: {  	_ =	shalt  }
0x52: {  	_ =	shalt  }
0x53: {  	_ =	shalt  }
0x54: {  	_ =	shalt  }
0x55: {  	_ =	shalt  }
0x56: {  	_ =	shalt  }
0x57: {  	_ =	shalt  }
0x58: {  	_ =	shalt  }
0x59: {  	_ =	shalt  }
0x5a: {  	_ =	shalt  }
0x5b: {  	_ =	shalt  }
0x5c: {  	_ =	shalt  }
0x5d: {  	_ =	shalt  }
0x5e: {  	_ =	shalt  }
0x5f: {  	_ =	shalt  }
0x60: {  	_ =	shalt  }
0x61: {  	_ =	shalt  }
0x62: {  	_ =	shalt  }
0x63: {  	_ =	shalt  }
0x64: {  	_ =	shalt  }
0x65: {  	_ =	shalt  }
0x66: {  	_ =	shalt  }
0x67: {  	_ =	shalt  }
0x68: {  	_ =	shalt  }
0x69: {  	_ =	shalt  }
0x6a: {  	_ =	shalt  }
0x6b: {  	_ =	shalt  }
0x6c: {  	_ =	shalt  }
0x6d: {  	_ =	shalt  }
0x6e: {  	_ =	shalt  }
0x6f: {  	_ =	shalt  }
0x70: {  	_ =	shalt  }
0x71: {  	_ =	shalt  }
0x72: {  	_ =	shalt  }
0x73: {  	_ =	shalt  }
0x74: {  	_ =	shalt  }
0x75: {  	_ =	shalt  }
0x76: {  	_ =	shalt  }
0x77: {  	_ =	shalt  }
0x78: {  	_ =	shalt  }
0x79: {  	_ =	shalt  }
0x7a: {  	_ =	shalt  }
0x7b: {  	_ =	shalt  }
0x7c: {  	_ =	shalt  }
0x7d: {  	_ =	shalt  }
0x7e: {  	_ =	shalt  }
0x7f: {  	_ =	shalt  }
0x80: {  	_ =	shalt  }
0x81: {  	_ =	shalt  }
0x82: {  	_ =	shalt  }
0x83: {  	_ =	shalt  }
0x84: {  	_ =	shalt  }
0x85: {  	_ =	shalt  }
0x86: {  	_ =	shalt  }
0x87: {  	_ =	shalt  }
.Lfunc_end0:
.L_simem_size_0:
called_computation.1_lowered:
.L_overlay_start_0:
0x88: {  	s2 =	sld [smem:$0x3FD9]  }
0x89: {  	s3 =	sld [smem:$0x3FFE];
	_ =	sdelay $0x1  }
0x8a: {  	s1 =	srdreg.scid  }
0x8b: {  	s0 =	sand.u32 $0x1, s1  }
0x8c: {  	s17 =	sshll.u32 s0, $0xA;
	s2 =	sadd.s32 s3, s2  }
0x8d: {  	s2 =	sadd.s32 s2, s17  }
0x8e: {  	[smem:$0x3FC3] =	sst s2  }
0x8f: {  	_ = 	snop  }
0x90: {  	(tm) =	ssettm $0x1  }
0x91: {  	s18 =	sld [smem:$0x3FFB];
	_ =	sdelay $0x3  }
0x92: {  	_ =	strace s18  }
0x93: {  	s2 =	sld [smem:$0x3FFC];
	_ =	sdelay $0x3  }
0x94: {  	_ =	strace s2  }
0x95: {  	s2 =	sld [smem:$0x3FFD];
	_ =	sdelay $0x3  }
0x96: {  	_ =	strace s2  }
0x97: {  	_ =	strace $0x8FFFFFFF  }
0x98: {  	s19 =	sld [smem:$0x3FDB];
	_ =	sdelay $0x1  }
0x99: {  	s20 =	simm.s32 $_scs_section_size  }
0x9a: {  	s4 =	simm.s32 $_size__tile_overlayer_lowered;
	s5 =	simm.s32 $_tile_overlayer_lowered  }
0x9b: {  	s6 =	simm.s32 $0x1BFF;
	s21 =	sshll.u32 s5, $0x1;
	s3 =	sadd.s32 s20, s19  }
0x9c: {  	s22 =	simm.s32 $0x0;
	s4 =	sshll.u32 s4, $0x1;
	s5 =	sadd.s32 s21, s3  }
0x9d: {  	[timem:s22], [sflag:s6] =	dma.local [hbm:s5], s4  }
0x9e: {  	_ =	swait.ge [sflag:s6], s4  }
0x9f: {  	s4 =	ssub.s32 $0x0, s4;
	[sflag:s6] =	ssyncset.done $0x0  }
0xa0: {  	[sflag:s6] =	ssyncadd.s32 s4;
	_ =	sdelay $0x1  }
0xa1: {  	s23 =	simm.s32 $0x1B8B  }
0xa2: {  	_ =	swait.ge [sflag:s23], $0x1  }
0xa3: {  	[sflag:s23] =	ssyncset.done $0x0  }
0xa4: {  	[sflag:s23] =	ssyncadd.s32 $0xFFFFFFFF  }
0xa5: {  	s4 =	sld [smem:$0x0]  }
0xa6: {  	s5 =	sand.u32 $0xFFFFFFFE, s1  }
0xa7: {  	p0 =	sne.s32 s1, s5  }
0xa8: {  	s5 =	sshll.u32 @p0 s5, $0xE  }
0xa9: {  	s5 =	sadd.s32 @p0 $0x11B8D, s5;
	s6 =	sshll.u32 @p0 s4, $0x11  }
0xaa: {  	s5 =	sor.u32 @p0 s6, s5  }
0xab: {  	[sflag:s5] =	ssyncadd.remote.s32 @p0 $0x1;
	_ =	sdelay $0x1  }
0xac: {  	s5 =	simm.s32 @p0 $0x1B8D  }
0xad: {  	_ =	swait.eq @p0 [sflag:s5], $0x1  }
0xae: {  	[sflag:s5] =	ssyncadd.s32 @p0 $0xFFFFFFFF  }
0xaf: {  	s6 =	sshll.u32 @!p0 s1, $0xE  }
0xb0: {  	s6 =	sor.u32 @!p0 $0x4000, s6;
	s5 =	simm.s32 @!p0 $0x1B8D  }
0xb1: {  	s4 =	sshll.u32 @!p0 s4, $0x11;
	s6 =	sadd.s32 @!p0 $0x11B8D, s6;
	_ =	swait.eq @!p0 [sflag:s5], $0x1  }
0xb2: {  	s4 =	sor.u32 @!p0 s4, s6;
	[sflag:s5] =	ssyncadd.s32 @!p0 $0xFFFFFFFF  }
0xb3: {  	s25 =	simm.s32 $0x1B8E;
	s24 =	sld [smem:$0x3FFE];
	[sflag:s4] =	ssyncadd.remote.s32 @!p0 $0x1  }
0xb4: {  	s26 =	simm.s32 $execute0_lowered;
	[smem:$0x3FD2] =	sst s25  }
0xb5: {  	s5 =	sshll.u32 s26, $0x1;
	_ =	strace $0x80000049;
	[dreg:$0x1] =	wrdreg $0xFFFFFFFF  }
0xb6: {  	s28 =	simm.s32 $_size_execute0_lowered;
	s3 =	sadd.s32 s3, s5;
	[dreg:$0x0] =	wrdreg $0x0  }
0xb7: {  	s5 =	sshll.u32 s28, $0x1;
	[dreg:$0x2] =	wrdreg s3  }
0xb8: {  	[dreg:$0x3] =	wrdreg s5  }
0xb9: {  	[dreg:$0x4] =	wrdreg $0xC0  }
0xba: {  	_ =	task [dreg:s22], $0x5FFFF  }
0xbb: {  	[dreg:$0x1] =	wrdreg $0xFFFFFFFF  }
0xbc: {  	[dreg:$0x0] =	wrdreg $0x60  }
0xbd: {  	[dreg:$0x2] =	wrdreg s24  }
0xbe: {  	[dreg:$0x3] =	wrdreg $0xA  }
0xbf: {  	_ =	task.clear_ibuf [dreg:s22], $0x4FFFF;
	_ =	strace $0x90000049  }
0xc0: {  	s29 =	simm.s32 $0xA;
	_ =	strace $0x8000004B  }
0xc1: {  	_ =	swait.ge [sflag:s29], $0x1  }
0xc2: {  	[sflag:s29] =	ssyncadd.s32 $0xFFFFFFFF  }
0xc3: {  	_ =	strace $0x9000004B  }
0xc4: {  	_ =	sfence  }
0xc5: {  	s30 =	sld [smem:$0x0];
	_ =	sdelay $0x2  }
0xc6: {  	s31 =	sshll.u32 s1, $0xD;
	s1 =	sshrl.u32 s1, $0x2  }
0xc7: {  	s4 =	sand.u32 $0x4000, s31;
	s1 =	sadd.s32 s1, s30  }
0xc8: {  	s0 =	sor.u32 s4, s0;
	s1 =	sshll.u32 s1, $0x11  }
0xc9: {  	s0 =	sor.u32 s1, s0  }
0xca: {  	s0 =	sadd.s32 $0x8F2B, s0  }
0xcb: {  	[sflag:s0] =	ssyncadd.remote.s32 $0x1  }
0xcc: {  	_ =	sfence.sel $0xFFFF  }
0xcd: {  	[dreg:$0x0] =	wrdreg $0xFFFFFFFF;
	(pc) =	sbr.abs _section_cstart, $3  }
0xce: {  	[dreg:$0x1] =	wrdreg $0xFFFFFFFF  }
0xcf: {  	_ =	task.clear_ibuf [dreg:s22], $0x2FFFF;
	_ =	strace $0x9FFFFFFF  }
0xd0: {  	(tm) =	ssettm $0x7FFFFFFF  }
0xd1: {  	_ =	shalt  }
tec
execute0_lowered:
.L_overlay_start_1:
0x0: {  	(tag) =	ssettag $0x1  }
0x1: {  	s1 =	srdreg.scid;
	s0 =	stileid.u32  }
0x2: {  	s5 =	rddreg [dreg:$0x0];
	s2 =	simm.s32 $0x0;
	s12 =	simm.s32 $0x80  }
0x3: {  	s13 =	simm.s32 $0x1900;
	s14 =	simm.s32 $0x1;
	s15 =	simm.s32 $0x3900  }
0x4: {  	s16 =	simm.s32 $0x2;
	s17 =	simm.s32 $0x3;
	s18 =	simm.s32 $0x100  }
0x5: {  	s19 =	simm.s32 $0x4;
	s20 =	simm.s32 $0x0;
	s4 =	sand.u32 $0x1, s1  }
0x6: {  	s30 =	sshll.u32 s0, $0x1;
	s1 =	rddreg [dreg:$0x1];
	s8 =	smul.u32 $0xC8000, s0  }
0x7: {  	[smem:$0x7FF] =	sst s2;
	s3 =	sor.u32 s4, s30;
	s10 =	smul.u32 $0x64000, s4  }
0x8: {  	_ =	strace $0x8000004A;
	s9 =	ssub.s32 $0x2, s4;
	s6 =	smul.u32 $0x320, s3  }
0x9: {  	s4 =	sadd.s32 $0x1A6800, s5;
	s7 =	smul.u32 $0x64000, s3;
	s31 =	sshrl.u32 s9, $0x1  }
.Ltmp0:
0xa: {  	s3 =	sadd.s32 $0xF46000, s5;
	s9 =	ssub.s32 s9, s31;
	(pc) =	sbr.rel .LBB2_1-.Ltmp0, $4  }
0xb: {  	s10 =	sadd.s32 s10, s8;
	s6 =	sadd.s32 s6, s5;
	s7 =	sshrl.u32 s7, $0x3  }
0xc: {  	s11 =	sadd.s32 $0x6000, s10;
	s5 =	sadd.s32 $0x3C00, s6;
	s6 =	sadd.s32 s4, s7  }
0xd: {  	s7 =	smax.u32 s9, $0x1;
	s11 =	sshrl.u32 s11, $0x3;
	s9 =	sadd.s32 $0x4000, s10  }
0xe: {  	s8 =	sadd.s32 $0x400, s6;
	s10 =	sadd.s32 s11, s4;
	s11 =	simm.s32 $0x5  }
.LBB2_4:
0xf: {  	s20 =	sadd.s32 $0x1, s20  }
0x10: {  	p0 =	sne.s32 s20, s7  }
.Ltmp1:
0x11: {  	_ = 	snop;
	(pc) =	sbr.rel @!p0 .LBB2_5-.Ltmp1, $4  }
0x12: {  	_ = 	snop  }
0x13: {  	_ =	swait.ge [sflag:s19], $0x2000  }
0x14: {  	[sflag:s19] =	ssyncset.done $0x0  }
0x15: {  	[sflag:s19] =	ssyncadd.s32 $0xFFFFE000  }
.LBB2_1:
0x16: {  	[tilespmem:s2], [sflag:$0x5] =	stream.linear.gather [hbm4b:s5+s2], $0x1900, $0x38;
	[tilespmem:$0x5900] =	vst v63  }
0x17: {  	_ =	swait.ge [sflag:s11], $0x1900  }
0x18: {  	[sflag:s11] =	ssyncset.done $0x0  }
0x19: {  	[sflag:s11] =	ssyncadd.s32 $0xFFFFE700  }
0x1a: {  	[tilespmem:s13], [sflag:$0x1] =	stream.indirect.gather [hbm4b:s3+s12], $0x40, s2, s12, $0xb8;
	[tilespmem:$0x5900] =	vst v63  }
0x1b: {  	_ =	swait.ge [sflag:s14], $0x2000  }
0x1c: {  	[sflag:s14] =	ssyncset.done $0x0  }
0x1d: {  	[sflag:s14] =	ssyncadd.s32 $0xFFFFE000  }
0x1e: {  	[hbm4b:s6+s2] =	stream.linear.scatter [tilespmem:s13], [sflag:$0x3], $0x2000, $0x38;
	[tilespmem:$0x5900] =	vst v63  }
0x1f: {  	_ = 	snop  }
0x20: {  	[tilespmem:s15], [sflag:$0x2] =	stream.indirect.gather [hbm4b:s3+s12], $0x40, s12, s12, $0xb8;
	[tilespmem:$0x5900] =	vst v63  }
0x21: {  	_ =	swait.ge [sflag:s16], $0x2000  }
0x22: {  	[sflag:s16] =	ssyncset.done $0x0  }
0x23: {  	[sflag:s16] =	ssyncadd.s32 $0xFFFFE000  }
0x24: {  	[hbm4b:s8+s2] =	stream.linear.scatter [tilespmem:s15], [sflag:$0x4], $0x2000, $0x38;
	[tilespmem:$0x5900] =	vst v63  }
0x25: {  	_ =	swait.ge [sflag:s17], $0x2000  }
0x26: {  	s21 =	simm.s32 $0x200;
	[sflag:s17] =	ssyncset.done $0x0  }
0x27: {  	s22 =	simm.s32 $0x0;
	s23 =	smov.u32 s9;
	[sflag:s17] =	ssyncadd.s32 $0xFFFFE000  }
0x28: {  	[tilespmem:s13], [sflag:$0x1] =	stream.indirect.gather [hbm4b:s3+s12], $0x40, s18, s12, $0xb8;
	[tilespmem:$0x5900] =	vst v63  }
.LBB2_2:
0x29: {  	_ =	swait.ge [sflag:s14], $0x2000  }
0x2a: {  	s24 =	sshrl.u32 s23, $0x3;
	[sflag:s14] =	ssyncset.done $0x0  }
0x2b: {  	s24 =	sadd.s32 s4, s24;
	[sflag:s14] =	ssyncadd.s32 $0xFFFFE000  }
0x2c: {  	[hbm4b:s24+s2] =	stream.linear.scatter [tilespmem:s13], [sflag:$0x3], $0x2000, $0x38;
	[tilespmem:$0x5900] =	vst v63  }
0x2d: {  	_ =	swait.ge [sflag:s19], $0x2000  }
0x2e: {  	[sflag:s19] =	ssyncset.done $0x0  }
0x2f: {  	s30 =	sadd.s32 $0xFFFFFF80, s21;
	[sflag:s19] =	ssyncadd.s32 $0xFFFFE000  }
0x30: {  	[tilespmem:s15], [sflag:$0x2] =	stream.indirect.gather [hbm4b:s3+s12], $0x40, s30, s12, $0xb8;
	[tilespmem:$0x5900] =	vst v63  }
0x31: {  	_ =	swait.ge [sflag:s16], $0x2000  }
0x32: {  	p0 =	seq.s32 s22, $0xB800;
	[sflag:s16] =	ssyncset.done $0x0  }
.Ltmp2:
0x33: {  	s31 =	sadd.s32 s22, s10;
	[sflag:s16] =	ssyncadd.s32 $0xFFFFE000;
	(pc) =	sbr.rel @p0 .LBB2_4-.Ltmp2, $4  }
0x34: {  	[hbm4b:s31+s2] =	stream.linear.scatter [tilespmem:s15], [sflag:$0x4], $0x2000, $0x38;
	[tilespmem:$0x5900] =	vst v63  }
0x35: {  	_ =	swait.ge [sflag:s17], $0x2000  }
0x36: {  	[sflag:s17] =	ssyncset.done $0x0  }
0x37: {  	[sflag:s17] =	ssyncadd.s32 $0xFFFFE000  }
.Ltmp3:
0x38: {  	(pc) =	sbr.rel .LBB2_2-.Ltmp3, $3  }
0x39: {  	_ =	sdelay $0x1  }
0x3a: {  	[tilespmem:s13], [sflag:$0x1] =	stream.indirect.gather [hbm4b:s3+s12], $0x40, s21, s12, $0xb8;
	[tilespmem:$0x5900] =	vst v63  }
0x3b: {  	s21 =	sadd.s32 $0x100, s21;
	s23 =	sadd.s32 $0x4000, s23;
	s22 =	sadd.s32 $0x800, s22  }
.LBB2_5:
0x3c: {  	_ =	sfence.sel $0x180000  }
0x3d: {  	[bflag:$0x0] =	sbarrier.arrive $0xFFFF  }
0x3e: {  	p0 =	sne.s32 s0, $0x0;
	_ =	strace $0x9000004A  }
0x3f: {  	s0 =	sadd.s32 @!p0 $0x100000, s1;
	[bflag:$0x2] =	sbarrier.arrive $0xFFFF  }
0x40: {  	[sflag:s0] =	ssyncadd.tile.s32 @!p0 $0x1;
	_ =	shalt  }
.Lfunc_end2:
_tile_overlayer_lowered:
.L_overlay_start_2:
0x41: {  	(tag) =	ssettag $0x2  }
0x42: {  	s0 =	rddreg [dreg:$0x0];
	s2 =	stileid.u32  }
0x43: {  	s1 =	rddreg [dreg:$0x1];
	p0 =	sne.s32 s2, $0x0  }
0x44: {  	s3 =	rddreg [dreg:$0x2];
	[bflag:$0x3] =	sbarrier.arrive $0xFFFF;
	s2 =	simm.s32 @!p0 $0x1C05  }
0x45: {  	[timem:s3], [sflag:s2] =	dma.local @!p0 [hbm:s0], s1  }
0x46: {  	s0 =	simm.s32 @!p0 $0x5  }
0x47: {  	_ =	swait.ge @!p0 [sflag:s0], s1  }
0x48: {  	s1 =	ssub.s32 @!p0 $0x0, s1;
	[sflag:s0] =	ssyncset.done @!p0 $0x0  }
0x49: {  	[sflag:s0] =	ssyncadd.s32 @!p0 s1  }
0x4a: {  	[bflag:$0x3] =	sbarrier.arrive $0xFFFF  }
0x4b: {  	_ =	shalt  }

// kernel: kernel.16.cloned.1.call-start
scs
__scs_entry_jumppad:
0x0: {  	(pc) =	sbr.rel $0x88, $3  }
0x1: {  	(tag) =	ssettag $0x0;
	lr =	simm.s32 $0x1  }
0x2: {  	[smem:$0x3F9C] =	sst lr;
	_ =	strace $0xD0000000  }
0x3: {  	_ = 	snop  }
0x4: {  	_ = 	snop  }
0x5: {  	_ = 	snop  }
0x6: {  	_ = 	snop  }
0x7: {  	_ = 	snop  }
__scs_overlays_trampoline_lowered:
0x8: {  	[smem:$0x3FAB] =	sst s0  }
0x9: {  	[smem:$0x3FAC] =	sst s1  }
0xa: {  	[smem:$0x3FAD] =	sst s2  }
0xb: {  	[smem:$0x3FAE] =	sst s3  }
0xc: {  	[smem:$0x3FAF] =	sst s4  }
0xd: {  	[smem:$0x3FB0] =	sst s5  }
0xe: {  	[smem:$0x3FB1] =	sst s6  }
0xf: {  	[smem:$0x3FB2] =	sst s7  }
0x10: {  	[smem:$0x3FB3] =	sst s8  }
0x11: {  	[smem:$0x3FB4] =	sst s9;
	s0 =	simm.s32 @!p0 $0x0  }
0x12: {  	s1 =	sld [smem:$0x3F9A];
	s0 =	simm.s32 @p0 $0x1  }
0x13: {  	[smem:$0x3FB5] =	sst s0;
	s0 =	simm.s32 @!p1 $0x0  }
0x14: {  	s2 =	sld [smem:$0x3F99];
	s0 =	simm.s32 @p1 $0x1  }
0x15: {  	[smem:$0x3FB6] =	sst s0;
	s0 =	simm.s32 @!p2 $0x0  }
0x16: {  	s3 =	sld [smem:$0x3FDB];
	s0 =	simm.s32 @p2 $0x1  }
0x17: {  	s4 =	simm.s32 $0x1BF5;
	[smem:$0x3FB8] =	sst s0  }
0x18: {  	s0 =	sld [smem:$0x3F9B];
	_ =	swait.ge [sflag:s4], $0x0  }
0x19: {  	s7 =	sld [smem:$0x3F9C]  }
0x1a: {  	s8 =	sadd.s32 $0xFFFFE003, lr  }
0x1b: {  	s9 =	sadd.s32 $0xFFFFFEF7, lr;
	s5 =	simm.s32 $0xFFFFFFFF;
	p2 =	slt.u32 s8, $0xFFFFF086  }
0x1c: {  	p1 =	slt.u32 s9, $0xF7A;
	s5 =	simm.s32 @!p2 $0x0  }
0x1d: {  	s5 =	simm.s32 @p1 $0x1;
	p0 =	seq.s32 s7, s2  }
0x1e: {  	s7 =	smul.u32 @!p0 $0xF7A, s2;
	p2 =	seq.s32 @!p0 s5, $0x0  }
0x1f: {  	s9 =	smul.u32 $0xF7A, s1;
	s8 =	simm.s32 @!p0 $0x1BF5;
	p2 =	por !p2, p0  }
0x20: {  	[sflag:s8] =	ssyncset.s32 @!p0 $0xFFFFF086;
	s6 =	sadd.s32 @!p0 s3, s7;
	s7 =	simm.s32 @!p0 $0x108  }
0x21: {  	s3 =	sadd.s32 s3, s9;
	s6 =	sadd.s32 @!p0 $0x88, s6;
	s7 =	simm.s32 @p2 $0x1082  }
0x22: {  	[simem:s7], [sflag:s8] =	dma.local @!p0 [hbm:s6], $0xF7A  }
0x23: {  	s9 =	sor.u32 $0xD0000000, s2;
	s6 =	simm.s32 $0x108;
	_ =	swait.ge @!p0 [sflag:s8], $0x0  }
0x24: {  	s3 =	sadd.s32 $0x88, s3;
	s6 =	simm.s32 @!p1 $0x1082;
	[sflag:s4] =	ssyncset.s32 $0xFFFFF086  }
0x25: {  	[simem:s6], [sflag:s4] =	dma.local [hbm:s3], $0xF7A  }
0x26: {  	[smem:$0x3F9C] =	sst s1;
	(tag) =	ssettag s2;
	_ =	strace s9  }
0x27: {  	s1 =	sld [smem:$0x3FAC]  }
0x28: {  	s2 =	sld [smem:$0x3FAD]  }
0x29: {  	s4 =	sld [smem:$0x3FAF]  }
0x2a: {  	p0 =	seq.s32 s5, $0x0;
	s5 =	sld [smem:$0x3FB0]  }
0x2b: {  	s6 =	sld [smem:$0x3FB1]  }
0x2c: {  	s7 =	sld [smem:$0x3FB2]  }
0x2d: {  	s3 =	simm.s32 $0x108;
	s8 =	sld [smem:$0x3FB3]  }
0x2e: {  	s3 =	simm.s32 @!p0 $0x1082;
	s9 =	sld [smem:$0x3FB4]  }
0x2f: {  	lr =	sadd.s32 s0, s3;
	s0 =	sld [smem:$0x3FAB]  }
0x30: {  	s3 =	sld [smem:$0x3FAE]  }
0x31: {  	[smem:$0x3FB7] =	sst s10  }
0x32: {  	s10 =	sld [smem:$0x3FB5];
	_ =	sdelay $0x3  }
0x33: {  	p0 =	seq.s32 s10, $0x1;
	s10 =	sld [smem:$0x3FB7];
	_ =	sdelay $0x3  }
0x34: {  	[smem:$0x3FB7] =	sst s10  }
0x35: {  	s10 =	sld [smem:$0x3FB6];
	_ =	sdelay $0x3  }
0x36: {  	p1 =	seq.s32 s10, $0x1;
	s10 =	sld [smem:$0x3FB7];
	_ =	sdelay $0x3  }
0x37: {  	[smem:$0x3FB7] =	sst s10  }
0x38: {  	s10 =	sld [smem:$0x3FB8]  }
0x39: {  	_ = 	snop;
	(pc) =	sbr.ind lr, $3  }
0x3a: {  	_ = 	snop  }
0x3b: {  	_ = 	snop  }
0x3c: {  	p2 =	seq.s32 s10, $0x1;
	s10 =	sld [smem:$0x3FB7]  }
0x3d: {  	_ =	shalt  }
0x3e: {  	_ =	shalt  }
0x3f: {  	_ =	shalt  }
0x40: {  	_ =	shalt  }
0x41: {  	_ =	shalt  }
0x42: {  	_ =	shalt  }
0x43: {  	_ =	shalt  }
0x44: {  	_ =	shalt  }
0x45: {  	_ =	shalt  }
0x46: {  	_ =	shalt  }
0x47: {  	_ =	shalt  }
0x48: {  	_ =	shalt  }
0x49: {  	_ =	shalt  }
0x4a: {  	_ =	shalt  }
0x4b: {  	_ =	shalt  }
0x4c: {  	_ =	shalt  }
0x4d: {  	_ =	shalt  }
0x4e: {  	_ =	shalt  }
0x4f: {  	_ =	shalt  }
0x50: {  	_ =	shalt  }
0x51: {  	_ =	shalt  }
0x52: {  	_ =	shalt  }
0x53: {  	_ =	shalt  }
0x54: {  	_ =	shalt  }
0x55: {  	_ =	shalt  }
0x56: {  	_ =	shalt  }
0x57: {  	_ =	shalt  }
0x58: {  	_ =	shalt  }
0x59: {  	_ =	shalt  }
0x5a: {  	_ =	shalt  }
0x5b: {  	_ =	shalt  }
0x5c: {  	_ =	shalt  }
0x5d: {  	_ =	shalt  }
0x5e: {  	_ =	shalt  }
0x5f: {  	_ =	shalt  }
0x60: {  	_ =	shalt  }
0x61: {  	_ =	shalt  }
0x62: {  	_ =	shalt  }
0x63: {  	_ =	shalt  }
0x64: {  	_ =	shalt  }
0x65: {  	_ =	shalt  }
0x66: {  	_ =	shalt  }
0x67: {  	_ =	shalt  }
0x68: {  	_ =	shalt  }
0x69: {  	_ =	shalt  }
0x6a: {  	_ =	shalt  }
0x6b: {  	_ =	shalt  }
0x6c: {  	_ =	shalt  }
0x6d: {  	_ =	shalt  }
0x6e: {  	_ =	shalt  }
0x6f: {  	_ =	shalt  }
0x70: {  	_ =	shalt  }
0x71: {  	_ =	shalt  }
0x72: {  	_ =	shalt  }
0x73: {  	_ =	shalt  }
0x74: {  	_ =	shalt  }
0x75: {  	_ =	shalt  }
0x76: {  	_ =	shalt  }
0x77: {  	_ =	shalt  }
0x78: {  	_ =	shalt  }
0x79: {  	_ =	shalt  }
0x7a: {  	_ =	shalt  }
0x7b: {  	_ =	shalt  }
0x7c: {  	_ =	shalt  }
0x7d: {  	_ =	shalt  }
0x7e: {  	_ =	shalt  }
0x7f: {  	_ =	shalt  }
0x80: {  	_ =	shalt  }
0x81: {  	_ =	shalt  }
0x82: {  	_ =	shalt  }
0x83: {  	_ =	shalt  }
0x84: {  	_ =	shalt  }
0x85: {  	_ =	shalt  }
0x86: {  	_ =	shalt  }
0x87: {  	_ =	shalt  }
.Lfunc_end0:
.L_simem_size_0:
called_computation.2_lowered:
.L_overlay_start_0:
0x88: {  	s2 =	sld [smem:$0x3FD9]  }
0x89: {  	s3 =	sld [smem:$0x3FFE];
	_ =	sdelay $0x1  }
0x8a: {  	s1 =	srdreg.scid  }
0x8b: {  	s0 =	sand.u32 $0x1, s1  }
0x8c: {  	s17 =	sshll.u32 s0, $0xA;
	s2 =	sadd.s32 s3, s2  }
0x8d: {  	s2 =	sadd.s32 s2, s17  }
0x8e: {  	[smem:$0x3FC3] =	sst s2  }
0x8f: {  	_ = 	snop  }
0x90: {  	(tm) =	ssettm $0x1  }
0x91: {  	s18 =	sld [smem:$0x3FFB];
	_ =	sdelay $0x3  }
0x92: {  	_ =	strace s18  }
0x93: {  	s2 =	sld [smem:$0x3FFC];
	_ =	sdelay $0x3  }
0x94: {  	_ =	strace s2  }
0x95: {  	s2 =	sld [smem:$0x3FFD];
	_ =	sdelay $0x3  }
0x96: {  	_ =	strace s2  }
0x97: {  	_ =	strace $0x8FFFFFFF  }
0x98: {  	s19 =	sld [smem:$0x3FDB];
	_ =	sdelay $0x1  }
0x99: {  	s20 =	simm.s32 $_scs_section_size  }
0x9a: {  	s4 =	simm.s32 $_size__tile_overlayer_lowered;
	s5 =	simm.s32 $_tile_overlayer_lowered  }
0x9b: {  	s6 =	simm.s32 $0x1BFF;
	s21 =	sshll.u32 s5, $0x1;
	s3 =	sadd.s32 s20, s19  }
0x9c: {  	s22 =	simm.s32 $0x0;
	s4 =	sshll.u32 s4, $0x1;
	s5 =	sadd.s32 s21, s3  }
0x9d: {  	[timem:s22], [sflag:s6] =	dma.local [hbm:s5], s4  }
0x9e: {  	_ =	swait.ge [sflag:s6], s4  }
0x9f: {  	s4 =	ssub.s32 $0x0, s4;
	[sflag:s6] =	ssyncset.done $0x0  }
0xa0: {  	[sflag:s6] =	ssyncadd.s32 s4;
	_ =	sdelay $0x1  }
0xa1: {  	s23 =	simm.s32 $0x1B8B  }
0xa2: {  	_ =	swait.ge [sflag:s23], $0x1  }
0xa3: {  	[sflag:s23] =	ssyncset.done $0x0  }
0xa4: {  	[sflag:s23] =	ssyncadd.s32 $0xFFFFFFFF  }
0xa5: {  	s4 =	sld [smem:$0x0]  }
0xa6: {  	s5 =	sand.u32 $0xFFFFFFFE, s1  }
0xa7: {  	p0 =	sne.s32 s1, s5  }
0xa8: {  	s5 =	sshll.u32 @p0 s5, $0xE  }
0xa9: {  	s5 =	sadd.s32 @p0 $0x11B8D, s5;
	s6 =	sshll.u32 @p0 s4, $0x11  }
0xaa: {  	s5 =	sor.u32 @p0 s6, s5  }
0xab: {  	[sflag:s5] =	ssyncadd.remote.s32 @p0 $0x1;
	_ =	sdelay $0x1  }
0xac: {  	s5 =	simm.s32 @p0 $0x1B8D  }
0xad: {  	_ =	swait.eq @p0 [sflag:s5], $0x1  }
0xae: {  	[sflag:s5] =	ssyncadd.s32 @p0 $0xFFFFFFFF  }
0xaf: {  	s6 =	sshll.u32 @!p0 s1, $0xE  }
0xb0: {  	s6 =	sor.u32 @!p0 $0x4000, s6;
	s5 =	simm.s32 @!p0 $0x1B8D  }
0xb1: {  	s4 =	sshll.u32 @!p0 s4, $0x11;
	s6 =	sadd.s32 @!p0 $0x11B8D, s6;
	_ =	swait.eq @!p0 [sflag:s5], $0x1  }
0xb2: {  	s4 =	sor.u32 @!p0 s4, s6;
	[sflag:s5] =	ssyncadd.s32 @!p0 $0xFFFFFFFF  }
0xb3: {  	s25 =	simm.s32 $0x1B8E;
	s24 =	sld [smem:$0x3FFE];
	[sflag:s4] =	ssyncadd.remote.s32 @!p0 $0x1  }
0xb4: {  	s26 =	simm.s32 $execute0_lowered;
	[smem:$0x3FD2] =	sst s25  }
0xb5: {  	s5 =	sshll.u32 s26, $0x1;
	_ =	strace $0x8000004C;
	[dreg:$0x1] =	wrdreg $0xFFFFFFFF  }
0xb6: {  	s28 =	simm.s32 $_size_execute0_lowered;
	s3 =	sadd.s32 s3, s5;
	[dreg:$0x0] =	wrdreg $0x0  }
0xb7: {  	s5 =	sshll.u32 s28, $0x1;
	[dreg:$0x2] =	wrdreg s3  }
0xb8: {  	[dreg:$0x3] =	wrdreg s5  }
0xb9: {  	[dreg:$0x4] =	wrdreg $0xC0  }
0xba: {  	_ =	task [dreg:s22], $0x5FFFF  }
0xbb: {  	[dreg:$0x1] =	wrdreg $0xFFFFFFFF  }
0xbc: {  	[dreg:$0x0] =	wrdreg $0x60  }
0xbd: {  	[dreg:$0x2] =	wrdreg s24  }
0xbe: {  	[dreg:$0x3] =	wrdreg $0xB  }
0xbf: {  	_ =	task.clear_ibuf [dreg:s22], $0x4FFFF;
	_ =	strace $0x9000004C  }
0xc0: {  	s29 =	simm.s32 $0xB;
	_ =	strace $0x8000004E  }
0xc1: {  	_ =	swait.ge [sflag:s29], $0x1  }
0xc2: {  	[sflag:s29] =	ssyncadd.s32 $0xFFFFFFFF  }
0xc3: {  	_ =	strace $0x9000004E  }
0xc4: {  	_ =	sfence  }
0xc5: {  	s30 =	sld [smem:$0x0];
	_ =	sdelay $0x2  }
0xc6: {  	s31 =	sshll.u32 s1, $0xD;
	s1 =	sshrl.u32 s1, $0x2  }
0xc7: {  	s4 =	sand.u32 $0x4000, s31;
	s1 =	sadd.s32 s1, s30  }
0xc8: {  	s0 =	sor.u32 s4, s0;
	s1 =	sshll.u32 s1, $0x11  }
0xc9: {  	s0 =	sor.u32 s1, s0  }
0xca: {  	s0 =	sadd.s32 $0x8F2B, s0  }
0xcb: {  	[sflag:s0] =	ssyncadd.remote.s32 $0x1  }
0xcc: {  	_ =	sfence.sel $0xFFFF  }
0xcd: {  	[dreg:$0x0] =	wrdreg $0xFFFFFFFF;
	(pc) =	sbr.abs _section_cstart, $3  }
0xce: {  	[dreg:$0x1] =	wrdreg $0xFFFFFFFF  }
0xcf: {  	_ =	task.clear_ibuf [dreg:s22], $0x2FFFF;
	_ =	strace $0x9FFFFFFF  }
0xd0: {  	(tm) =	ssettm $0x7FFFFFFF  }
0xd1: {  	_ =	shalt  }
tec
execute0_lowered:
.L_overlay_start_1:
0x0: {  	(tag) =	ssettag $0x1  }
0x1: {  	s1 =	srdreg.scid;
	s0 =	stileid.u32  }
0x2: {  	s5 =	rddreg [dreg:$0x0];
	s2 =	simm.s32 $0x0;
	s12 =	simm.s32 $0x80  }
0x3: {  	s13 =	simm.s32 $0x1900;
	s14 =	simm.s32 $0x1;
	s15 =	simm.s32 $0x3900  }
0x4: {  	s16 =	simm.s32 $0x2;
	s17 =	simm.s32 $0x3;
	s18 =	simm.s32 $0x100  }
0x5: {  	s19 =	simm.s32 $0x4;
	s20 =	simm.s32 $0x0;
	s4 =	sand.u32 $0x1, s1  }
0x6: {  	s30 =	sshll.u32 s0, $0x1;
	s1 =	rddreg [dreg:$0x1];
	s8 =	smul.u32 $0xC8000, s0  }
0x7: {  	[smem:$0x7FF] =	sst s2;
	s3 =	sor.u32 s4, s30;
	s10 =	smul.u32 $0x64000, s4  }
0x8: {  	_ =	strace $0x8000004D;
	s9 =	ssub.s32 $0x2, s4;
	s6 =	smul.u32 $0x320, s3  }
0x9: {  	s4 =	sadd.s32 $0x336800, s5;
	s7 =	smul.u32 $0x64000, s3;
	s31 =	sshrl.u32 s9, $0x1  }
.Ltmp0:
0xa: {  	s3 =	sadd.s32 $0xF46000, s5;
	s9 =	ssub.s32 s9, s31;
	(pc) =	sbr.rel .LBB2_1-.Ltmp0, $4  }
0xb: {  	s10 =	sadd.s32 s10, s8;
	s6 =	sadd.s32 s6, s5;
	s7 =	sshrl.u32 s7, $0x3  }
0xc: {  	s11 =	sadd.s32 $0x6000, s10;
	s5 =	sadd.s32 $0xA000, s6;
	s6 =	sadd.s32 s4, s7  }
0xd: {  	s7 =	smax.u32 s9, $0x1;
	s11 =	sshrl.u32 s11, $0x3;
	s9 =	sadd.s32 $0x4000, s10  }
0xe: {  	s8 =	sadd.s32 $0x400, s6;
	s10 =	sadd.s32 s11, s4;
	s11 =	simm.s32 $0x5  }
.LBB2_4:
0xf: {  	s20 =	sadd.s32 $0x1, s20  }
0x10: {  	p0 =	sne.s32 s20, s7  }
.Ltmp1:
0x11: {  	_ = 	snop;
	(pc) =	sbr.rel @!p0 .LBB2_5-.Ltmp1, $4  }
0x12: {  	_ = 	snop  }
0x13: {  	_ =	swait.ge [sflag:s19], $0x2000  }
0x14: {  	[sflag:s19] =	ssyncset.done $0x0  }
0x15: {  	[sflag:s19] =	ssyncadd.s32 $0xFFFFE000  }
.LBB2_1:
0x16: {  	[tilespmem:s2], [sflag:$0x5] =	stream.linear.gather [hbm4b:s5+s2], $0x1900, $0x38;
	[tilespmem:$0x5900] =	vst v63  }
0x17: {  	_ =	swait.ge [sflag:s11], $0x1900  }
0x18: {  	[sflag:s11] =	ssyncset.done $0x0  }
0x19: {  	[sflag:s11] =	ssyncadd.s32 $0xFFFFE700  }
0x1a: {  	[tilespmem:s13], [sflag:$0x1] =	stream.indirect.gather [hbm4b:s3+s12], $0x40, s2, s12, $0xb8;
	[tilespmem:$0x5900] =	vst v63  }
0x1b: {  	_ =	swait.ge [sflag:s14], $0x2000  }
0x1c: {  	[sflag:s14] =	ssyncset.done $0x0  }
0x1d: {  	[sflag:s14] =	ssyncadd.s32 $0xFFFFE000  }
0x1e: {  	[hbm4b:s6+s2] =	stream.linear.scatter [tilespmem:s13], [sflag:$0x3], $0x2000, $0x38;
	[tilespmem:$0x5900] =	vst v63  }
0x1f: {  	_ = 	snop  }
0x20: {  	[tilespmem:s15], [sflag:$0x2] =	stream.indirect.gather [hbm4b:s3+s12], $0x40, s12, s12, $0xb8;
	[tilespmem:$0x5900] =	vst v63  }
0x21: {  	_ =	swait.ge [sflag:s16], $0x2000  }
0x22: {  	[sflag:s16] =	ssyncset.done $0x0  }
0x23: {  	[sflag:s16] =	ssyncadd.s32 $0xFFFFE000  }
0x24: {  	[hbm4b:s8+s2] =	stream.linear.scatter [tilespmem:s15], [sflag:$0x4], $0x2000, $0x38;
	[tilespmem:$0x5900] =	vst v63  }
0x25: {  	_ =	swait.ge [sflag:s17], $0x2000  }
0x26: {  	s21 =	simm.s32 $0x200;
	[sflag:s17] =	ssyncset.done $0x0  }
0x27: {  	s22 =	simm.s32 $0x0;
	s23 =	smov.u32 s9;
	[sflag:s17] =	ssyncadd.s32 $0xFFFFE000  }
0x28: {  	[tilespmem:s13], [sflag:$0x1] =	stream.indirect.gather [hbm4b:s3+s12], $0x40, s18, s12, $0xb8;
	[tilespmem:$0x5900] =	vst v63  }
.LBB2_2:
0x29: {  	_ =	swait.ge [sflag:s14], $0x2000  }
0x2a: {  	s24 =	sshrl.u32 s23, $0x3;
	[sflag:s14] =	ssyncset.done $0x0  }
0x2b: {  	s24 =	sadd.s32 s4, s24;
	[sflag:s14] =	ssyncadd.s32 $0xFFFFE000  }
0x2c: {  	[hbm4b:s24+s2] =	stream.linear.scatter [tilespmem:s13], [sflag:$0x3], $0x2000, $0x38;
	[tilespmem:$0x5900] =	vst v63  }
0x2d: {  	_ =	swait.ge [sflag:s19], $0x2000  }
0x2e: {  	[sflag:s19] =	ssyncset.done $0x0  }
0x2f: {  	s30 =	sadd.s32 $0xFFFFFF80, s21;
	[sflag:s19] =	ssyncadd.s32 $0xFFFFE000  }
0x30: {  	[tilespmem:s15], [sflag:$0x2] =	stream.indirect.gather [hbm4b:s3+s12], $0x40, s30, s12, $0xb8;
	[tilespmem:$0x5900] =	vst v63  }
0x31: {  	_ =	swait.ge [sflag:s16], $0x2000  }
0x32: {  	p0 =	seq.s32 s22, $0xB800;
	[sflag:s16] =	ssyncset.done $0x0  }
.Ltmp2:
0x33: {  	s31 =	sadd.s32 s22, s10;
	[sflag:s16] =	ssyncadd.s32 $0xFFFFE000;
	(pc) =	sbr.rel @p0 .LBB2_4-.Ltmp2, $4  }
0x34: {  	[hbm4b:s31+s2] =	stream.linear.scatter [tilespmem:s15], [sflag:$0x4], $0x2000, $0x38;
	[tilespmem:$0x5900] =	vst v63  }
0x35: {  	_ =	swait.ge [sflag:s17], $0x2000  }
0x36: {  	[sflag:s17] =	ssyncset.done $0x0  }
0x37: {  	[sflag:s17] =	ssyncadd.s32 $0xFFFFE000  }
.Ltmp3:
0x38: {  	(pc) =	sbr.rel .LBB2_2-.Ltmp3, $3  }
0x39: {  	_ =	sdelay $0x1  }
0x3a: {  	[tilespmem:s13], [sflag:$0x1] =	stream.indirect.gather [hbm4b:s3+s12], $0x40, s21, s12, $0xb8;
	[tilespmem:$0x5900] =	vst v63  }
0x3b: {  	s21 =	sadd.s32 $0x100, s21;
	s23 =	sadd.s32 $0x4000, s23;
	s22 =	sadd.s32 $0x800, s22  }
.LBB2_5:
0x3c: {  	_ =	sfence.sel $0x180000  }
0x3d: {  	[bflag:$0x0] =	sbarrier.arrive $0xFFFF  }
0x3e: {  	p0 =	sne.s32 s0, $0x0;
	_ =	strace $0x9000004D  }
0x3f: {  	s0 =	sadd.s32 @!p0 $0x100000, s1;
	[bflag:$0x2] =	sbarrier.arrive $0xFFFF  }
0x40: {  	[sflag:s0] =	ssyncadd.tile.s32 @!p0 $0x1;
	_ =	shalt  }
.Lfunc_end2:
_tile_overlayer_lowered:
.L_overlay_start_2:
0x41: {  	(tag) =	ssettag $0x2  }
0x42: {  	s0 =	rddreg [dreg:$0x0];
	s2 =	stileid.u32  }
0x43: {  	s1 =	rddreg [dreg:$0x1];
	p0 =	sne.s32 s2, $0x0  }
0x44: {  	s3 =	rddreg [dreg:$0x2];
	[bflag:$0x3] =	sbarrier.arrive $0xFFFF;
	s2 =	simm.s32 @!p0 $0x1C05  }
0x45: {  	[timem:s3], [sflag:s2] =	dma.local @!p0 [hbm:s0], s1  }
0x46: {  	s0 =	simm.s32 @!p0 $0x5  }
0x47: {  	_ =	swait.ge @!p0 [sflag:s0], s1  }
0x48: {  	s1 =	ssub.s32 @!p0 $0x0, s1;
	[sflag:s0] =	ssyncset.done @!p0 $0x0  }
0x49: {  	[sflag:s0] =	ssyncadd.s32 @!p0 s1  }
0x4a: {  	[bflag:$0x3] =	sbarrier.arrive $0xFFFF  }
0x4b: {  	_ =	shalt  }

// kernel: kernel.19.cloned.1.call-start
scs
__scs_entry_jumppad:
0x0: {  	(pc) =	sbr.rel $0x88, $3  }
0x1: {  	(tag) =	ssettag $0x0;
	lr =	simm.s32 $0x1  }
0x2: {  	[smem:$0x3F9C] =	sst lr;
	_ =	strace $0xD0000000  }
0x3: {  	_ = 	snop  }
0x4: {  	_ = 	snop  }
0x5: {  	_ = 	snop  }
0x6: {  	_ = 	snop  }
0x7: {  	_ = 	snop  }
__scs_overlays_trampoline_lowered:
0x8: {  	[smem:$0x3FAB] =	sst s0  }
0x9: {  	[smem:$0x3FAC] =	sst s1  }
0xa: {  	[smem:$0x3FAD] =	sst s2  }
0xb: {  	[smem:$0x3FAE] =	sst s3  }
0xc: {  	[smem:$0x3FAF] =	sst s4  }
0xd: {  	[smem:$0x3FB0] =	sst s5  }
0xe: {  	[smem:$0x3FB1] =	sst s6  }
0xf: {  	[smem:$0x3FB2] =	sst s7  }
0x10: {  	[smem:$0x3FB3] =	sst s8  }
0x11: {  	[smem:$0x3FB4] =	sst s9;
	s0 =	simm.s32 @!p0 $0x0  }
0x12: {  	s1 =	sld [smem:$0x3F9A];
	s0 =	simm.s32 @p0 $0x1  }
0x13: {  	[smem:$0x3FB5] =	sst s0;
	s0 =	simm.s32 @!p1 $0x0  }
0x14: {  	s2 =	sld [smem:$0x3F99];
	s0 =	simm.s32 @p1 $0x1  }
0x15: {  	[smem:$0x3FB6] =	sst s0;
	s0 =	simm.s32 @!p2 $0x0  }
0x16: {  	s3 =	sld [smem:$0x3FDB];
	s0 =	simm.s32 @p2 $0x1  }
0x17: {  	s4 =	simm.s32 $0x1BF5;
	[smem:$0x3FB8] =	sst s0  }
0x18: {  	s0 =	sld [smem:$0x3F9B];
	_ =	swait.ge [sflag:s4], $0x0  }
0x19: {  	s7 =	sld [smem:$0x3F9C]  }
0x1a: {  	s8 =	sadd.s32 $0xFFFFE003, lr  }
0x1b: {  	s9 =	sadd.s32 $0xFFFFFEF7, lr;
	s5 =	simm.s32 $0xFFFFFFFF;
	p2 =	slt.u32 s8, $0xFFFFF086  }
0x1c: {  	p1 =	slt.u32 s9, $0xF7A;
	s5 =	simm.s32 @!p2 $0x0  }
0x1d: {  	s5 =	simm.s32 @p1 $0x1;
	p0 =	seq.s32 s7, s2  }
0x1e: {  	s7 =	smul.u32 @!p0 $0xF7A, s2;
	p2 =	seq.s32 @!p0 s5, $0x0  }
0x1f: {  	s9 =	smul.u32 $0xF7A, s1;
	s8 =	simm.s32 @!p0 $0x1BF5;
	p2 =	por !p2, p0  }
0x20: {  	[sflag:s8] =	ssyncset.s32 @!p0 $0xFFFFF086;
	s6 =	sadd.s32 @!p0 s3, s7;
	s7 =	simm.s32 @!p0 $0x108  }
0x21: {  	s3 =	sadd.s32 s3, s9;
	s6 =	sadd.s32 @!p0 $0x88, s6;
	s7 =	simm.s32 @p2 $0x1082  }
0x22: {  	[simem:s7], [sflag:s8] =	dma.local @!p0 [hbm:s6], $0xF7A  }
0x23: {  	s9 =	sor.u32 $0xD0000000, s2;
	s6 =	simm.s32 $0x108;
	_ =	swait.ge @!p0 [sflag:s8], $0x0  }
0x24: {  	s3 =	sadd.s32 $0x88, s3;
	s6 =	simm.s32 @!p1 $0x1082;
	[sflag:s4] =	ssyncset.s32 $0xFFFFF086  }
0x25: {  	[simem:s6], [sflag:s4] =	dma.local [hbm:s3], $0xF7A  }
0x26: {  	[smem:$0x3F9C] =	sst s1;
	(tag) =	ssettag s2;
	_ =	strace s9  }
0x27: {  	s1 =	sld [smem:$0x3FAC]  }
0x28: {  	s2 =	sld [smem:$0x3FAD]  }
0x29: {  	s4 =	sld [smem:$0x3FAF]  }
0x2a: {  	p0 =	seq.s32 s5, $0x0;
	s5 =	sld [smem:$0x3FB0]  }
0x2b: {  	s6 =	sld [smem:$0x3FB1]  }
0x2c: {  	s7 =	sld [smem:$0x3FB2]  }
0x2d: {  	s3 =	simm.s32 $0x108;
	s8 =	sld [smem:$0x3FB3]  }
0x2e: {  	s3 =	simm.s32 @!p0 $0x1082;
	s9 =	sld [smem:$0x3FB4]  }
0x2f: {  	lr =	sadd.s32 s0, s3;
	s0 =	sld [smem:$0x3FAB]  }
0x30: {  	s3 =	sld [smem:$0x3FAE]  }
0x31: {  	[smem:$0x3FB7] =	sst s10  }
0x32: {  	s10 =	sld [smem:$0x3FB5];
	_ =	sdelay $0x3  }
0x33: {  	p0 =	seq.s32 s10, $0x1;
	s10 =	sld [smem:$0x3FB7];
	_ =	sdelay $0x3  }
0x34: {  	[smem:$0x3FB7] =	sst s10  }
0x35: {  	s10 =	sld [smem:$0x3FB6];
	_ =	sdelay $0x3  }
0x36: {  	p1 =	seq.s32 s10, $0x1;
	s10 =	sld [smem:$0x3FB7];
	_ =	sdelay $0x3  }
0x37: {  	[smem:$0x3FB7] =	sst s10  }
0x38: {  	s10 =	sld [smem:$0x3FB8]  }
0x39: {  	_ = 	snop;
	(pc) =	sbr.ind lr, $3  }
0x3a: {  	_ = 	snop  }
0x3b: {  	_ = 	snop  }
0x3c: {  	p2 =	seq.s32 s10, $0x1;
	s10 =	sld [smem:$0x3FB7]  }
0x3d: {  	_ =	shalt  }
0x3e: {  	_ =	shalt  }
0x3f: {  	_ =	shalt  }
0x40: {  	_ =	shalt  }
0x41: {  	_ =	shalt  }
0x42: {  	_ =	shalt  }
0x43: {  	_ =	shalt  }
0x44: {  	_ =	shalt  }
0x45: {  	_ =	shalt  }
0x46: {  	_ =	shalt  }
0x47: {  	_ =	shalt  }
0x48: {  	_ =	shalt  }
0x49: {  	_ =	shalt  }
0x4a: {  	_ =	shalt  }
0x4b: {  	_ =	shalt  }
0x4c: {  	_ =	shalt  }
0x4d: {  	_ =	shalt  }
0x4e: {  	_ =	shalt  }
0x4f: {  	_ =	shalt  }
0x50: {  	_ =	shalt  }
0x51: {  	_ =	shalt  }
0x52: {  	_ =	shalt  }
0x53: {  	_ =	shalt  }
0x54: {  	_ =	shalt  }
0x55: {  	_ =	shalt  }
0x56: {  	_ =	shalt  }
0x57: {  	_ =	shalt  }
0x58: {  	_ =	shalt  }
0x59: {  	_ =	shalt  }
0x5a: {  	_ =	shalt  }
0x5b: {  	_ =	shalt  }
0x5c: {  	_ =	shalt  }
0x5d: {  	_ =	shalt  }
0x5e: {  	_ =	shalt  }
0x5f: {  	_ =	shalt  }
0x60: {  	_ =	shalt  }
0x61: {  	_ =	shalt  }
0x62: {  	_ =	shalt  }
0x63: {  	_ =	shalt  }
0x64: {  	_ =	shalt  }
0x65: {  	_ =	shalt  }
0x66: {  	_ =	shalt  }
0x67: {  	_ =	shalt  }
0x68: {  	_ =	shalt  }
0x69: {  	_ =	shalt  }
0x6a: {  	_ =	shalt  }
0x6b: {  	_ =	shalt  }
0x6c: {  	_ =	shalt  }
0x6d: {  	_ =	shalt  }
0x6e: {  	_ =	shalt  }
0x6f: {  	_ =	shalt  }
0x70: {  	_ =	shalt  }
0x71: {  	_ =	shalt  }
0x72: {  	_ =	shalt  }
0x73: {  	_ =	shalt  }
0x74: {  	_ =	shalt  }
0x75: {  	_ =	shalt  }
0x76: {  	_ =	shalt  }
0x77: {  	_ =	shalt  }
0x78: {  	_ =	shalt  }
0x79: {  	_ =	shalt  }
0x7a: {  	_ =	shalt  }
0x7b: {  	_ =	shalt  }
0x7c: {  	_ =	shalt  }
0x7d: {  	_ =	shalt  }
0x7e: {  	_ =	shalt  }
0x7f: {  	_ =	shalt  }
0x80: {  	_ =	shalt  }
0x81: {  	_ =	shalt  }
0x82: {  	_ =	shalt  }
0x83: {  	_ =	shalt  }
0x84: {  	_ =	shalt  }
0x85: {  	_ =	shalt  }
0x86: {  	_ =	shalt  }
0x87: {  	_ =	shalt  }
.Lfunc_end0:
.L_simem_size_0:
called_computation.3_lowered:
.L_overlay_start_0:
0x88: {  	s2 =	sld [smem:$0x3FD9]  }
0x89: {  	s3 =	sld [smem:$0x3FFE];
	_ =	sdelay $0x1  }
0x8a: {  	s1 =	srdreg.scid  }
0x8b: {  	s0 =	sand.u32 $0x1, s1  }
0x8c: {  	s17 =	sshll.u32 s0, $0xA;
	s2 =	sadd.s32 s3, s2  }
0x8d: {  	s2 =	sadd.s32 s2, s17  }
0x8e: {  	[smem:$0x3FC3] =	sst s2  }
0x8f: {  	_ = 	snop  }
0x90: {  	(tm) =	ssettm $0x1  }
0x91: {  	s18 =	sld [smem:$0x3FFB];
	_ =	sdelay $0x3  }
0x92: {  	_ =	strace s18  }
0x93: {  	s2 =	sld [smem:$0x3FFC];
	_ =	sdelay $0x3  }
0x94: {  	_ =	strace s2  }
0x95: {  	s2 =	sld [smem:$0x3FFD];
	_ =	sdelay $0x3  }
0x96: {  	_ =	strace s2  }
0x97: {  	_ =	strace $0x8FFFFFFF  }
0x98: {  	s19 =	sld [smem:$0x3FDB];
	_ =	sdelay $0x1  }
0x99: {  	s20 =	simm.s32 $_scs_section_size  }
0x9a: {  	s4 =	simm.s32 $_size__tile_overlayer_lowered;
	s5 =	simm.s32 $_tile_overlayer_lowered  }
0x9b: {  	s6 =	simm.s32 $0x1BFF;
	s21 =	sshll.u32 s5, $0x1;
	s3 =	sadd.s32 s20, s19  }
0x9c: {  	s22 =	simm.s32 $0x0;
	s4 =	sshll.u32 s4, $0x1;
	s5 =	sadd.s32 s21, s3  }
0x9d: {  	[timem:s22], [sflag:s6] =	dma.local [hbm:s5], s4  }
0x9e: {  	_ =	swait.ge [sflag:s6], s4  }
0x9f: {  	s4 =	ssub.s32 $0x0, s4;
	[sflag:s6] =	ssyncset.done $0x0  }
0xa0: {  	[sflag:s6] =	ssyncadd.s32 s4;
	_ =	sdelay $0x1  }
0xa1: {  	s23 =	simm.s32 $0x1B8B  }
0xa2: {  	_ =	swait.ge [sflag:s23], $0x1  }
0xa3: {  	[sflag:s23] =	ssyncset.done $0x0  }
0xa4: {  	[sflag:s23] =	ssyncadd.s32 $0xFFFFFFFF  }
0xa5: {  	s4 =	sld [smem:$0x0]  }
0xa6: {  	s5 =	sand.u32 $0xFFFFFFFE, s1  }
0xa7: {  	p0 =	sne.s32 s1, s5  }
0xa8: {  	s5 =	sshll.u32 @p0 s5, $0xE  }
0xa9: {  	s5 =	sadd.s32 @p0 $0x11B8D, s5;
	s6 =	sshll.u32 @p0 s4, $0x11  }
0xaa: {  	s5 =	sor.u32 @p0 s6, s5  }
0xab: {  	[sflag:s5] =	ssyncadd.remote.s32 @p0 $0x1;
	_ =	sdelay $0x1  }
0xac: {  	s5 =	simm.s32 @p0 $0x1B8D  }
0xad: {  	_ =	swait.eq @p0 [sflag:s5], $0x1  }
0xae: {  	[sflag:s5] =	ssyncadd.s32 @p0 $0xFFFFFFFF  }
0xaf: {  	s6 =	sshll.u32 @!p0 s1, $0xE  }
0xb0: {  	s6 =	sor.u32 @!p0 $0x4000, s6;
	s5 =	simm.s32 @!p0 $0x1B8D  }
0xb1: {  	s4 =	sshll.u32 @!p0 s4, $0x11;
	s6 =	sadd.s32 @!p0 $0x11B8D, s6;
	_ =	swait.eq @!p0 [sflag:s5], $0x1  }
0xb2: {  	s4 =	sor.u32 @!p0 s4, s6;
	[sflag:s5] =	ssyncadd.s32 @!p0 $0xFFFFFFFF  }
0xb3: {  	s25 =	simm.s32 $0x1B8E;
	s24 =	sld [smem:$0x3FFE];
	[sflag:s4] =	ssyncadd.remote.s32 @!p0 $0x1  }
0xb4: {  	s26 =	simm.s32 $execute0_lowered;
	[smem:$0x3FD2] =	sst s25  }
0xb5: {  	s5 =	sshll.u32 s26, $0x1;
	_ =	strace $0x8000004F;
	[dreg:$0x1] =	wrdreg $0xFFFFFFFF  }
0xb6: {  	s28 =	simm.s32 $_size_execute0_lowered;
	s3 =	sadd.s32 s3, s5;
	[dreg:$0x0] =	wrdreg $0x0  }
0xb7: {  	s5 =	sshll.u32 s28, $0x1;
	[dreg:$0x2] =	wrdreg s3  }
0xb8: {  	[dreg:$0x3] =	wrdreg s5  }
0xb9: {  	[dreg:$0x4] =	wrdreg $0xC0  }
0xba: {  	_ =	task [dreg:s22], $0x5FFFF  }
0xbb: {  	[dreg:$0x1] =	wrdreg $0xFFFFFFFF  }
0xbc: {  	[dreg:$0x0] =	wrdreg $0x60  }
0xbd: {  	[dreg:$0x2] =	wrdreg s24  }
0xbe: {  	[dreg:$0x3] =	wrdreg $0xC  }
0xbf: {  	_ =	task.clear_ibuf [dreg:s22], $0x4FFFF;
	_ =	strace $0x9000004F  }
0xc0: {  	s29 =	simm.s32 $0xC;
	_ =	strace $0x80000051  }
0xc1: {  	_ =	swait.ge [sflag:s29], $0x1  }
0xc2: {  	[sflag:s29] =	ssyncadd.s32 $0xFFFFFFFF  }
0xc3: {  	_ =	strace $0x90000051  }
0xc4: {  	_ =	sfence  }
0xc5: {  	s30 =	sld [smem:$0x0];
	_ =	sdelay $0x2  }
0xc6: {  	s31 =	sshll.u32 s1, $0xD;
	s1 =	sshrl.u32 s1, $0x2  }
0xc7: {  	s4 =	sand.u32 $0x4000, s31;
	s1 =	sadd.s32 s1, s30  }
0xc8: {  	s0 =	sor.u32 s4, s0;
	s1 =	sshll.u32 s1, $0x11  }
0xc9: {  	s0 =	sor.u32 s1, s0  }
0xca: {  	s0 =	sadd.s32 $0x8F2B, s0  }
0xcb: {  	[sflag:s0] =	ssyncadd.remote.s32 $0x1  }
0xcc: {  	_ =	sfence.sel $0xFFFF  }
0xcd: {  	[dreg:$0x0] =	wrdreg $0xFFFFFFFF;
	(pc) =	sbr.abs _section_cstart, $3  }
0xce: {  	[dreg:$0x1] =	wrdreg $0xFFFFFFFF  }
0xcf: {  	_ =	task.clear_ibuf [dreg:s22], $0x2FFFF;
	_ =	strace $0x9FFFFFFF  }
0xd0: {  	(tm) =	ssettm $0x7FFFFFFF  }
0xd1: {  	_ =	shalt  }
tec
execute0_lowered:
.L_overlay_start_1:
0x0: {  	(tag) =	ssettag $0x1  }
0x1: {  	s1 =	srdreg.scid;
	s0 =	stileid.u32  }
0x2: {  	s5 =	rddreg [dreg:$0x0];
	s2 =	simm.s32 $0x0;
	s12 =	simm.s32 $0x80  }
0x3: {  	s13 =	simm.s32 $0x1900;
	s14 =	simm.s32 $0x1;
	s15 =	simm.s32 $0x3900  }
0x4: {  	s16 =	simm.s32 $0x2;
	s17 =	simm.s32 $0x3;
	s18 =	simm.s32 $0x100  }
0x5: {  	s19 =	simm.s32 $0x4;
	s20 =	simm.s32 $0x0;
	s4 =	sand.u32 $0x1, s1  }
0x6: {  	s30 =	sshll.u32 s0, $0x1;
	s1 =	rddreg [dreg:$0x1];
	s8 =	smul.u32 $0xC8000, s0  }
0x7: {  	[smem:$0x7FF] =	sst s2;
	s3 =	sor.u32 s4, s30;
	s10 =	smul.u32 $0x64000, s4  }
0x8: {  	_ =	strace $0x80000050;
	s9 =	ssub.s32 $0x2, s4;
	s6 =	smul.u32 $0x320, s3  }
0x9: {  	s4 =	sadd.s32 $0x4CCC00, s5;
	s7 =	smul.u32 $0x64000, s3;
	s31 =	sshrl.u32 s9, $0x1  }
.Ltmp0:
0xa: {  	s3 =	sadd.s32 $0xF46000, s5;
	s9 =	ssub.s32 s9, s31;
	(pc) =	sbr.rel .LBB2_1-.Ltmp0, $4  }
0xb: {  	s10 =	sadd.s32 s10, s8;
	s6 =	sadd.s32 s6, s5;
	s7 =	sshrl.u32 s7, $0x3  }
0xc: {  	s11 =	sadd.s32 $0x6000, s10;
	s5 =	sadd.s32 $0x4C6800, s6;
	s6 =	sadd.s32 s4, s7  }
0xd: {  	s7 =	smax.u32 s9, $0x1;
	s11 =	sshrl.u32 s11, $0x3;
	s9 =	sadd.s32 $0x4000, s10  }
0xe: {  	s8 =	sadd.s32 $0x400, s6;
	s10 =	sadd.s32 s11, s4;
	s11 =	simm.s32 $0x5  }
.LBB2_4:
0xf: {  	s20 =	sadd.s32 $0x1, s20  }
0x10: {  	p0 =	sne.s32 s20, s7  }
.Ltmp1:
0x11: {  	_ = 	snop;
	(pc) =	sbr.rel @!p0 .LBB2_5-.Ltmp1, $4  }
0x12: {  	_ = 	snop  }
0x13: {  	_ =	swait.ge [sflag:s19], $0x2000  }
0x14: {  	[sflag:s19] =	ssyncset.done $0x0  }
0x15: {  	[sflag:s19] =	ssyncadd.s32 $0xFFFFE000  }
.LBB2_1:
0x16: {  	[tilespmem:s2], [sflag:$0x5] =	stream.linear.gather [hbm4b:s5+s2], $0x1900, $0x38;
	[tilespmem:$0x5900] =	vst v63  }
0x17: {  	_ =	swait.ge [sflag:s11], $0x1900  }
0x18: {  	[sflag:s11] =	ssyncset.done $0x0  }
0x19: {  	[sflag:s11] =	ssyncadd.s32 $0xFFFFE700  }
0x1a: {  	[tilespmem:s13], [sflag:$0x1] =	stream.indirect.gather [hbm4b:s3+s12], $0x40, s2, s12, $0xb8;
	[tilespmem:$0x5900] =	vst v63  }
0x1b: {  	_ =	swait.ge [sflag:s14], $0x2000  }
0x1c: {  	[sflag:s14] =	ssyncset.done $0x0  }
0x1d: {  	[sflag:s14] =	ssyncadd.s32 $0xFFFFE000  }
0x1e: {  	[hbm4b:s6+s2] =	stream.linear.scatter [tilespmem:s13], [sflag:$0x3], $0x2000, $0x38;
	[tilespmem:$0x5900] =	vst v63  }
0x1f: {  	_ = 	snop  }
0x20: {  	[tilespmem:s15], [sflag:$0x2] =	stream.indirect.gather [hbm4b:s3+s12], $0x40, s12, s12, $0xb8;
	[tilespmem:$0x5900] =	vst v63  }
0x21: {  	_ =	swait.ge [sflag:s16], $0x2000  }
0x22: {  	[sflag:s16] =	ssyncset.done $0x0  }
0x23: {  	[sflag:s16] =	ssyncadd.s32 $0xFFFFE000  }
0x24: {  	[hbm4b:s8+s2] =	stream.linear.scatter [tilespmem:s15], [sflag:$0x4], $0x2000, $0x38;
	[tilespmem:$0x5900] =	vst v63  }
0x25: {  	_ =	swait.ge [sflag:s17], $0x2000  }
0x26: {  	s21 =	simm.s32 $0x200;
	[sflag:s17] =	ssyncset.done $0x0  }
0x27: {  	s22 =	simm.s32 $0x0;
	s23 =	smov.u32 s9;
	[sflag:s17] =	ssyncadd.s32 $0xFFFFE000  }
0x28: {  	[tilespmem:s13], [sflag:$0x1] =	stream.indirect.gather [hbm4b:s3+s12], $0x40, s18, s12, $0xb8;
	[tilespmem:$0x5900] =	vst v63  }
.LBB2_2:
0x29: {  	_ =	swait.ge [sflag:s14], $0x2000  }
0x2a: {  	s24 =	sshrl.u32 s23, $0x3;
	[sflag:s14] =	ssyncset.done $0x0  }
0x2b: {  	s24 =	sadd.s32 s4, s24;
	[sflag:s14] =	ssyncadd.s32 $0xFFFFE000  }
0x2c: {  	[hbm4b:s24+s2] =	stream.linear.scatter [tilespmem:s13], [sflag:$0x3], $0x2000, $0x38;
	[tilespmem:$0x5900] =	vst v63  }
0x2d: {  	_ =	swait.ge [sflag:s19], $0x2000  }
0x2e: {  	[sflag:s19] =	ssyncset.done $0x0  }
0x2f: {  	s30 =	sadd.s32 $0xFFFFFF80, s21;
	[sflag:s19] =	ssyncadd.s32 $0xFFFFE000  }
0x30: {  	[tilespmem:s15], [sflag:$0x2] =	stream.indirect.gather [hbm4b:s3+s12], $0x40, s30, s12, $0xb8;
	[tilespmem:$0x5900] =	vst v63  }
0x31: {  	_ =	swait.ge [sflag:s16], $0x2000  }
0x32: {  	p0 =	seq.s32 s22, $0xB800;
	[sflag:s16] =	ssyncset.done $0x0  }
.Ltmp2:
0x33: {  	s31 =	sadd.s32 s22, s10;
	[sflag:s16] =	ssyncadd.s32 $0xFFFFE000;
	(pc) =	sbr.rel @p0 .LBB2_4-.Ltmp2, $4  }
0x34: {  	[hbm4b:s31+s2] =	stream.linear.scatter [tilespmem:s15], [sflag:$0x4], $0x2000, $0x38;
	[tilespmem:$0x5900] =	vst v63  }
0x35: {  	_ =	swait.ge [sflag:s17], $0x2000  }
0x36: {  	[sflag:s17] =	ssyncset.done $0x0  }
0x37: {  	[sflag:s17] =	ssyncadd.s32 $0xFFFFE000  }
.Ltmp3:
0x38: {  	(pc) =	sbr.rel .LBB2_2-.Ltmp3, $3  }
0x39: {  	_ =	sdelay $0x1  }
0x3a: {  	[tilespmem:s13], [sflag:$0x1] =	stream.indirect.gather [hbm4b:s3+s12], $0x40, s21, s12, $0xb8;
	[tilespmem:$0x5900] =	vst v63  }
0x3b: {  	s21 =	sadd.s32 $0x100, s21;
	s23 =	sadd.s32 $0x4000, s23;
	s22 =	sadd.s32 $0x800, s22  }
.LBB2_5:
0x3c: {  	_ =	sfence.sel $0x180000  }
0x3d: {  	[bflag:$0x0] =	sbarrier.arrive $0xFFFF  }
0x3e: {  	p0 =	sne.s32 s0, $0x0;
	_ =	strace $0x90000050  }
0x3f: {  	s0 =	sadd.s32 @!p0 $0x100000, s1;
	[bflag:$0x2] =	sbarrier.arrive $0xFFFF  }
0x40: {  	[sflag:s0] =	ssyncadd.tile.s32 @!p0 $0x1;
	_ =	shalt  }
.Lfunc_end2:
_tile_overlayer_lowered:
.L_overlay_start_2:
0x41: {  	(tag) =	ssettag $0x2  }
0x42: {  	s0 =	rddreg [dreg:$0x0];
	s2 =	stileid.u32  }
0x43: {  	s1 =	rddreg [dreg:$0x1];
	p0 =	sne.s32 s2, $0x0  }
0x44: {  	s3 =	rddreg [dreg:$0x2];
	[bflag:$0x3] =	sbarrier.arrive $0xFFFF;
	s2 =	simm.s32 @!p0 $0x1C05  }
0x45: {  	[timem:s3], [sflag:s2] =	dma.local @!p0 [hbm:s0], s1  }
0x46: {  	s0 =	simm.s32 @!p0 $0x5  }
0x47: {  	_ =	swait.ge @!p0 [sflag:s0], s1  }
0x48: {  	s1 =	ssub.s32 @!p0 $0x0, s1;
	[sflag:s0] =	ssyncset.done @!p0 $0x0  }
0x49: {  	[sflag:s0] =	ssyncadd.s32 @!p0 s1  }
0x4a: {  	[bflag:$0x3] =	sbarrier.arrive $0xFFFF  }
0x4b: {  	_ =	shalt  }

</sc_bundles>
